<compile_context>
chip_gen: v7x
topology: tpu7x:2x2x1
jax: 0.10.2.dev20260603
libtpu: 0.0.44.dev20260713+nightly
codegen_flags: <defaults>
</compile_context>

<pallas_src>
import jax
import jax.numpy as jnp
from jax import lax
from jax.experimental import pallas as pl
from jax.experimental.pallas import tpu as pltpu
from jax.experimental.pallas import tpu_sc as plsc

N = 100000
D = 128
S = 1024
NC = 2
NS = 16
M_TC = 14848
TCB = 256
BASE = 2688
CH = 128
ACC_ROWS = 1040
DUMMY = 1024


def _sc_body(x_hbm, ids_hbm, out_hbm, acc, zbuf, rows0, rows1, rows2, rows3,
             ids2d, sg0, sg1, sg2, sg3, ss0, ss1, ss2, ss3, semi):
    c = lax.axis_index("c")
    s = lax.axis_index("s")
    wid = c * NS + s
    row0 = M_TC + wid * BASE
    rows_w = jnp.minimum(BASE, N - row0)
    full = rows_w // CH
    tail8 = (rows_w - full * CH) // 8

    def idpre(k, carry):
        pltpu.async_copy(ids_hbm.at[pl.ds(row0 + k * CH, CH)], ids2d.at[k],
                         semi)
        return carry

    lax.fori_loop(0, full, idpre, 0)

    @pl.when(full > 0)
    def _():
        pltpu.async_copy(x_hbm.at[pl.ds(row0, CH), :], rows0, sg0)

    zeros16 = jnp.zeros((16,), jnp.float32)

    def zrow(i, carry):
        for k in range(D // 16):
            zbuf[i, pl.ds(k * 16, 16)] = zeros16
        return carry

    lax.fori_loop(0, ACC_ROWS // NS, zrow, 0)
    pltpu.sync_copy(zbuf, acc.at[pl.ds(s * (ACC_ROWS // NS), ACC_ROWS // NS)])

    dummy16 = jnp.full((16,), DUMMY, jnp.int32)
    for k in range(CH // 16):
        ids2d[full, pl.ds(k * 16, 16)] = dummy16
    t0 = row0 + full * CH

    def tailb(t, carry):
        r = t0 + t * 8
        pltpu.sync_copy(ids_hbm.at[pl.ds(r, 8)], ids2d.at[full, pl.ds(t * 8, 8)])
        pltpu.sync_copy(x_hbm.at[pl.ds(r, 8), :], rows3.at[pl.ds(t * 8, 8), :])
        return carry

    lax.fori_loop(0, tail8, tailb, 0)

    def idwait(k, carry):
        pltpu.make_async_copy(ids_hbm.at[pl.ds(row0 + k * CH, CH)],
                              ids2d.at[k], semi).wait()
        return carry

    lax.fori_loop(0, full, idwait, 0)

    plsc.subcore_barrier()

    @pl.when(tail8 > 0)
    def _():
        pltpu.sync_copy(rows3, acc.at[ids2d.at[full]], add=True)

    rows_bufs = (rows0, rows1, rows2, rows3)
    sgs = (sg0, sg1, sg2, sg3)
    sss = (ss0, ss1, ss2, ss3)

    def quad(g, carry):
        for i in range(4):
            def slot(j, b):
                rb, sg, ss = rows_bufs[b], sgs[b], sss[b]
                nb = (b + 1) & 3
                r0 = row0 + j * CH
                pltpu.make_async_copy(x_hbm.at[pl.ds(r0, CH), :], rb,
                                      sg).wait()
                pltpu.async_copy(rb, acc.at[ids2d.at[j]], ss, add=True)

                @pl.when(j >= 3)
                def _():
                    pltpu.make_async_copy(rows_bufs[nb],
                                          acc.at[ids2d.at[0]], sss[nb]).wait()

                @pl.when(j + 1 < full)
                def _():
                    pltpu.async_copy(x_hbm.at[pl.ds(r0 + CH, CH), :],
                                     rows_bufs[nb], sgs[nb])

            j = 4 * g + i
            if i == 0:
                slot(j, 0)
            else:
                @pl.when(j < full)
                def _(j=j, i=i):
                    slot(j, i)
        return carry

    lax.fori_loop(0, (full + 3) // 4, quad, 0)

    for b in range(4):
        cond = (((full - 1) % 4 == b) | ((full - 2) % 4 == b)
                | ((full - 3) % 4 == b))

        @pl.when(cond)
        def _(b=b):
            pltpu.make_async_copy(rows_bufs[b], acc.at[ids2d.at[0]],
                                  sss[b]).wait()

    plsc.subcore_barrier()

    rpt = S // NS
    pltpu.sync_copy(acc.at[pl.ds(s * rpt, rpt)],
                    out_hbm.at[c, pl.ds(s * rpt, rpt), :])


@jax.jit
def _sc_segsum(x, ids):
    mesh = plsc.VectorSubcoreMesh(core_axis_name="c", subcore_axis_name="s")
    f = pl.kernel(
        _sc_body,
        out_type=jax.ShapeDtypeStruct((NC, S, D), jnp.float32),
        mesh=mesh,
        scratch_types=[
            pltpu.VMEM_SHARED((ACC_ROWS, D), jnp.float32),
            pltpu.VMEM((ACC_ROWS // NS, D), jnp.float32),
            pltpu.VMEM((CH, D), jnp.float32),
            pltpu.VMEM((CH, D), jnp.float32),
            pltpu.VMEM((CH, D), jnp.float32),
            pltpu.VMEM((CH, D), jnp.float32),
            pltpu.VMEM((BASE // CH + 1, CH), jnp.int32),
            pltpu.SemaphoreType.DMA,
            pltpu.SemaphoreType.DMA,
            pltpu.SemaphoreType.DMA,
            pltpu.SemaphoreType.DMA,
            pltpu.SemaphoreType.DMA,
            pltpu.SemaphoreType.DMA,
            pltpu.SemaphoreType.DMA,
            pltpu.SemaphoreType.DMA,
            pltpu.SemaphoreType.DMA,
        ],
    )
    return f(x, ids)


def _tc_body(ids_ref, x_ref, o_ref):
    i = pl.program_id(0)

    @pl.when(i == 0)
    def _():
        o_ref[...] = jnp.zeros_like(o_ref)

    seg = lax.broadcasted_iota(jnp.int32, (S, TCB), 0)
    onehot_t = (seg == ids_ref[0, 0, :][None, :]).astype(jnp.float32)
    o_ref[...] += lax.dot_general(onehot_t, x_ref[...],
                                  (((1,), (0,)), ((), ())),
                                  preferred_element_type=jnp.float32)


@jax.jit
def _tc_segsum(x, ids3d):
    return pl.pallas_call(
        _tc_body,
        grid=(M_TC // TCB,),
        in_specs=[
            pl.BlockSpec((1, 1, TCB), lambda i: (i, 0, 0)),
            pl.BlockSpec((TCB, D), lambda i: (i, 0)),
        ],
        out_specs=pl.BlockSpec((S, D), lambda i: (0, 0)),
        out_shape=jax.ShapeDtypeStruct((S, D), jnp.float32),
    )(ids3d, x)


def _merge_body(p_ref, t_ref, o_ref):
    o_ref[...] = p_ref[0] + p_ref[1] + t_ref[...]


@jax.jit
def _merge(partials, tc_part):
    return pl.pallas_call(
        _merge_body,
        out_shape=jax.ShapeDtypeStruct((S, D), jnp.float32),
    )(partials, tc_part)


def kernel(x, batch_indices):
    ids = batch_indices.astype(jnp.int32)
    ids3d = ids[:M_TC].reshape(M_TC // TCB, 1, TCB)
    partials = _sc_segsum(x, ids)
    tc_part = _tc_segsum(x, ids3d)
    pooled = _merge(partials, tc_part)
    return (pooled, None)

# --- scband reference (transcript-rebuilt; emitter-appended) ---
"""Pipeline reference for scband-sum-pooling-layer-66022237274246 (READ-ONLY COPY).

The authoritative reference and input builder live on the scoring server;
editing this copy changes nothing except your own understanding.
"""

import jax, jax.numpy as jnp
import numpy as np

NUM_SEGMENTS = 1024

def setup_inputs(seed: int = 0) -> dict:
    key = jax.random.key(seed)
    k1, k2 = jax.random.split(key)
    x = jax.random.normal(k1, (100000, 128), dtype=jnp.float32)
    batch_indices = jnp.sort(jax.random.randint(k2, (100000,), 0, NUM_SEGMENTS, dtype=jnp.int64))
    return {"x": x, "batch_indices": batch_indices}

def reference(x, batch_indices):
    # scatter_add(x, batch_indices, dim=0) == segment_sum over leading axis
    x_pooled = jax.ops.segment_sum(x, batch_indices, num_segments=NUM_SEGMENTS)
    return (x_pooled, None)

if __name__ == "__main__":
    import jax
    _d = setup_inputs()
    print(jax.jit(kernel)(*tuple(_d.values())))

</pallas_src>

<mosaic_0001>
#map = affine_map<(d0, d1) -> (0, 0)>
#map1 = affine_map<(d0, d1) -> (0)>
#map2 = affine_map<(d0, d1) -> (0, 0, 0)>
module attributes {stable_mosaic.version = 14 : i64} {
  func.func @_sc_body(%arg0: i32, %arg1: i32, %arg2: memref<100000x128xf32, #tpu.memory_space<hbm>>, %arg3: memref<100000xi32, #tpu.memory_space<hbm>>, %arg4: memref<2x1024x128xf32, #tpu.memory_space<hbm>>, %arg5: memref<1040x128xf32, #tpu.memory_space<vmem_shared>>, %arg6: memref<65x128xf32, #tpu.memory_space<vmem>>, %arg7: memref<128x128xf32, #tpu.memory_space<vmem>>, %arg8: memref<128x128xf32, #tpu.memory_space<vmem>>, %arg9: memref<128x128xf32, #tpu.memory_space<vmem>>, %arg10: memref<128x128xf32, #tpu.memory_space<vmem>>, %arg11: memref<22x128xi32, #tpu.memory_space<vmem>>, %arg12: memref<!tpu.dma_semaphore, #tpu.memory_space<semaphore_mem>>, %arg13: memref<!tpu.dma_semaphore, #tpu.memory_space<semaphore_mem>>, %arg14: memref<!tpu.dma_semaphore, #tpu.memory_space<semaphore_mem>>, %arg15: memref<!tpu.dma_semaphore, #tpu.memory_space<semaphore_mem>>, %arg16: memref<!tpu.dma_semaphore, #tpu.memory_space<semaphore_mem>>, %arg17: memref<!tpu.dma_semaphore, #tpu.memory_space<semaphore_mem>>, %arg18: memref<!tpu.dma_semaphore, #tpu.memory_space<semaphore_mem>>, %arg19: memref<!tpu.dma_semaphore, #tpu.memory_space<semaphore_mem>>, %arg20: memref<!tpu.dma_semaphore, #tpu.memory_space<semaphore_mem>>) attributes {dimension_semantics = [#tpu.dimension_semantics<core_parallel>, #tpu.dimension_semantics<subcore_parallel>], iteration_bounds = array<i64: 2, 16>, scalar_prefetch = 0 : i64, scratch_operands = 16 : i64, tpu.core_type = #tpu.core_type<sc_vector_subcore>, window_params = [{transform_indices = #map}, {transform_indices = #map1}, {transform_indices = #map2}]} {
    %mul3A = arith.constant 16 : i32
    %mul3A_0 = arith.muli %arg0, %mul3A : i32
    %add3A = arith.addi %mul3A_0, %arg1 : i32
    %mul3A_1 = arith.constant 2688 : i32
    %mul3A_2 = arith.muli %add3A, %mul3A_1 : i32
    %add3A_3 = arith.constant 14848 : i32
    %add3A_4 = arith.addi %add3A_3, %mul3A_2 : i32
    %sub3A = arith.constant 100000 : i32
    %sub3A_5 = arith.subi %sub3A, %add3A_4 : i32
    %min3A = arith.constant 2688 : i32
    %min3A_6 = arith.minsi %min3A, %sub3A_5 : i32
    %jit3A = arith.constant 128 : i32
    %div3A = arith.divsi %min3A_6, %jit3A : i32
    %sign3A = arith.constant 0 : i32
    %sign3A_7 = arith.cmpi sgt, %min3A_6, %sign3A : i32
    %sign3A_8 = arith.extui %sign3A_7 : i1 to i32
    %sign3A_9 = arith.constant 0 : i32
    %sign3A_10 = arith.cmpi slt, %min3A_6, %sign3A_9 : i32
    %sign3A_11 = arith.extui %sign3A_10 : i1 to i32
    %sign3A_12 = arith.subi %sign3A_8, %sign3A_11 : i32
    %sign3A_13 = arith.constant 0 : i32
    %sign3A_14 = arith.cmpi sgt, %jit3A, %sign3A_13 : i32
    %sign3A_15 = arith.extui %sign3A_14 : i1 to i32
    %sign3A_16 = arith.constant 0 : i32
    %sign3A_17 = arith.cmpi slt, %jit3A, %sign3A_16 : i32
    %sign3A_18 = arith.extui %sign3A_17 : i1 to i32
    %sign3A_19 = arith.subi %sign3A_15, %sign3A_18 : i32
    %ne3A = arith.cmpi ne, %sign3A_12, %sign3A_19 : i32
    %rem3A = arith.remsi %min3A_6, %jit3A : i32
    %ne3A_20 = arith.constant 0 : i32
    %ne3A_21 = arith.cmpi ne, %rem3A, %ne3A_20 : i32
    %and3A = arith.andi %ne3A, %ne3A_21 : i1
    %sub3A_22 = arith.constant 1 : i32
    %sub3A_23 = arith.subi %div3A, %sub3A_22 : i32
    %select_n3A = arith.select %and3A, %sub3A_23, %div3A : i32
    %mul3A_24 = arith.constant 128 : i32
    %mul3A_25 = arith.muli %select_n3A, %mul3A_24 : i32
    %sub3A_26 = arith.subi %min3A_6, %mul3A_25 : i32
    %jit3A_27 = arith.constant 8 : i32
    %div3A_28 = arith.divsi %sub3A_26, %jit3A_27 : i32
    %sign3A_29 = arith.constant 0 : i32
    %sign3A_30 = arith.cmpi sgt, %sub3A_26, %sign3A_29 : i32
    %sign3A_31 = arith.extui %sign3A_30 : i1 to i32
    %sign3A_32 = arith.constant 0 : i32
    %sign3A_33 = arith.cmpi slt, %sub3A_26, %sign3A_32 : i32
    %sign3A_34 = arith.extui %sign3A_33 : i1 to i32
    %sign3A_35 = arith.subi %sign3A_31, %sign3A_34 : i32
    %sign3A_36 = arith.constant 0 : i32
    %sign3A_37 = arith.cmpi sgt, %jit3A_27, %sign3A_36 : i32
    %sign3A_38 = arith.extui %sign3A_37 : i1 to i32
    %sign3A_39 = arith.constant 0 : i32
    %sign3A_40 = arith.cmpi slt, %jit3A_27, %sign3A_39 : i32
    %sign3A_41 = arith.extui %sign3A_40 : i1 to i32
    %sign3A_42 = arith.subi %sign3A_38, %sign3A_41 : i32
    %ne3A_43 = arith.cmpi ne, %sign3A_35, %sign3A_42 : i32
    %rem3A_44 = arith.remsi %sub3A_26, %jit3A_27 : i32
    %ne3A_45 = arith.constant 0 : i32
    %ne3A_46 = arith.cmpi ne, %rem3A_44, %ne3A_45 : i32
    %and3A_47 = arith.andi %ne3A_43, %ne3A_46 : i1
    %sub3A_48 = arith.constant 1 : i32
    %sub3A_49 = arith.subi %div3A_28, %sub3A_48 : i32
    %select_n3A_50 = arith.select %and3A_47, %sub3A_49, %div3A_28 : i32
    %while3A = arith.constant 0 : i32
    %while3A_51 = arith.constant 0 : i32
    %while3A_52 = arith.subi %select_n3A, %while3A_51 : i32
    %while3A_53 = arith.addi %while3A_51, %while3A_52 : i32
    %while3A_54 = arith.constant 1 : i32
    %while3A_55 = arith.divsi %while3A_52, %while3A_54 : i32
    %while3A_56 = arith.muli %while3A_55, %while3A_54 : i32
    %while3A_57 = arith.addi %while3A_51, %while3A_56 : i32
    %while3A_58 = arith.constant 1 : i32
    scf.for %while3A_437 = %while3A_51 to %while3A_57 step %while3A_58  : i32 {
      %mul3A_438 = arith.constant 128 : i32
      %mul3A_439 = arith.muli %while3A_437, %mul3A_438 : i32
      %add3A_440 = arith.addi %add3A_4, %mul3A_439 : i32
      %dma_start3A = arith.constant 0 : i32
      %dma_start3A_441 = tpu.memref_slice %arg11[%while3A_437, %dma_start3A] : memref<22x128xi32, #tpu.memory_space<vmem>> -> memref<1x128xi32, #tpu.memory_space<vmem>>
      %dma_start3A_442 = tpu.memref_squeeze %dma_start3A_441 : memref<1x128xi32, #tpu.memory_space<vmem>> -> memref<128xi32, #tpu.memory_space<vmem>>
      %dma_start3A_443 = tpu.memref_slice %arg3[%add3A_440] : memref<100000xi32, #tpu.memory_space<hbm>> -> memref<128xi32, #tpu.memory_space<hbm>>
      %dma_start3A_444 = arith.constant 0 : i32
      %dma_start3A_445 = tpu.memref_slice %arg11[%while3A_437, %dma_start3A_444] : memref<22x128xi32, #tpu.memory_space<vmem>> -> memref<1x128xi32, #tpu.memory_space<vmem>>
      %dma_start3A_446 = tpu.memref_squeeze %dma_start3A_445 : memref<1x128xi32, #tpu.memory_space<vmem>> -> memref<128xi32, #tpu.memory_space<vmem>>
      %dma_start3A_447 = tpu.memref_slice %arg3[%add3A_440] : memref<100000xi32, #tpu.memory_space<hbm>> -> memref<128xi32, #tpu.memory_space<hbm>>
      tpu.enqueue_dma source(%dma_start3A_447 : memref<128xi32, #tpu.memory_space<hbm>>) target(%dma_start3A_446 : memref<128xi32, #tpu.memory_space<vmem>>) target_semaphore(%arg20 : memref<!tpu.dma_semaphore, #tpu.memory_space<semaphore_mem>>)
    }
    %while3A_59 = arith.constant 1 : i32
    scf.for %while3A_437 = %while3A_57 to %while3A_53 step %while3A_59  : i32 {
      %mul3A_438 = arith.constant 128 : i32
      %mul3A_439 = arith.muli %while3A_437, %mul3A_438 : i32
      %add3A_440 = arith.addi %add3A_4, %mul3A_439 : i32
      %dma_start3A = arith.constant 0 : i32
      %dma_start3A_441 = tpu.memref_slice %arg11[%while3A_437, %dma_start3A] : memref<22x128xi32, #tpu.memory_space<vmem>> -> memref<1x128xi32, #tpu.memory_space<vmem>>
      %dma_start3A_442 = tpu.memref_squeeze %dma_start3A_441 : memref<1x128xi32, #tpu.memory_space<vmem>> -> memref<128xi32, #tpu.memory_space<vmem>>
      %dma_start3A_443 = tpu.memref_slice %arg3[%add3A_440] : memref<100000xi32, #tpu.memory_space<hbm>> -> memref<128xi32, #tpu.memory_space<hbm>>
      %dma_start3A_444 = arith.constant 0 : i32
      %dma_start3A_445 = tpu.memref_slice %arg11[%while3A_437, %dma_start3A_444] : memref<22x128xi32, #tpu.memory_space<vmem>> -> memref<1x128xi32, #tpu.memory_space<vmem>>
      %dma_start3A_446 = tpu.memref_squeeze %dma_start3A_445 : memref<1x128xi32, #tpu.memory_space<vmem>> -> memref<128xi32, #tpu.memory_space<vmem>>
      %dma_start3A_447 = tpu.memref_slice %arg3[%add3A_440] : memref<100000xi32, #tpu.memory_space<hbm>> -> memref<128xi32, #tpu.memory_space<hbm>>
      tpu.enqueue_dma source(%dma_start3A_447 : memref<128xi32, #tpu.memory_space<hbm>>) target(%dma_start3A_446 : memref<128xi32, #tpu.memory_space<vmem>>) target_semaphore(%arg20 : memref<!tpu.dma_semaphore, #tpu.memory_space<semaphore_mem>>)
    }
    %gt3A = arith.constant 0 : i32
    %gt3A_60 = arith.cmpi sgt, %select_n3A, %gt3A : i32
    %convert_element_type3A = arith.extui %gt3A_60 : i1 to i32
    %cond3A = arith.constant 0 : i32
    %cond3A_61 = arith.cmpi ne, %convert_element_type3A, %cond3A : i32
    scf.if %cond3A_61 {
      %dma_start3A = arith.constant 0 : i32
      %dma_start3A_437 = tpu.memref_slice %arg2[%add3A_4, %dma_start3A] : memref<100000x128xf32, #tpu.memory_space<hbm>> -> memref<128x128xf32, #tpu.memory_space<hbm>>
      %dma_start3A_438 = arith.constant 0 : i32
      %dma_start3A_439 = tpu.memref_slice %arg2[%add3A_4, %dma_start3A_438] : memref<100000x128xf32, #tpu.memory_space<hbm>> -> memref<128x128xf32, #tpu.memory_space<hbm>>
      tpu.enqueue_dma source(%dma_start3A_439 : memref<128x128xf32, #tpu.memory_space<hbm>>) target(%arg7 : memref<128x128xf32, #tpu.memory_space<vmem>>) target_semaphore(%arg12 : memref<!tpu.dma_semaphore, #tpu.memory_space<semaphore_mem>>)
    } else {
    }
    %broadcast_in_dim3A = arith.constant 0.000000e+00 : f32
    %broadcast_in_dim3A_62 = vector.broadcast %broadcast_in_dim3A : f32 to vector<16xf32>
    %scan3A = arith.constant 0 : i32
    %scan3A_63 = arith.constant 0 : i32
    %scan3A_64 = arith.constant 65 : i32
    %scan3A_65 = arith.addi %scan3A_63, %scan3A_64 : i32
    %scan3A_66 = arith.constant 1 : i32
    scf.for %scan3A_437 = %scan3A_63 to %scan3A_65 step %scan3A_66  : i32 {
      %swap3A_438 = arith.index_cast %scan3A_437 : i32 to index
      %swap3A_439 = arith.constant 0 : index
      %swap3A_440 = tpu.vector_load %arg6[%swap3A_438, %swap3A_439] {strides = array<i32>} : memref<65x128xf32, #tpu.memory_space<vmem>>, vector<1x16xf32>,
      %swap3A_441 = vector.shape_cast %swap3A_440 : vector<1x16xf32> to vector<16xf32>
      %swap3A_442 = vector.shape_cast %broadcast_in_dim3A_62 : vector<16xf32> to vector<1x16xf32>
      tpu.vector_store %arg6[%swap3A_438, %swap3A_439], %swap3A_442 {strides = array<i32>} : memref<65x128xf32, #tpu.memory_space<vmem>>, vector<1x16xf32>,
      %swap3A_443 = arith.index_cast %scan3A_437 : i32 to index
      %swap3A_444 = arith.constant 16 : index
      %swap3A_445 = tpu.vector_load %arg6[%swap3A_443, %swap3A_444] {strides = array<i32>} : memref<65x128xf32, #tpu.memory_space<vmem>>, vector<1x16xf32>,
      %swap3A_446 = vector.shape_cast %swap3A_445 : vector<1x16xf32> to vector<16xf32>
      %swap3A_447 = vector.shape_cast %broadcast_in_dim3A_62 : vector<16xf32> to vector<1x16xf32>
      tpu.vector_store %arg6[%swap3A_443, %swap3A_444], %swap3A_447 {strides = array<i32>} : memref<65x128xf32, #tpu.memory_space<vmem>>, vector<1x16xf32>,
      %swap3A_448 = arith.index_cast %scan3A_437 : i32 to index
      %swap3A_449 = arith.constant 32 : index
      %swap3A_450 = tpu.vector_load %arg6[%swap3A_448, %swap3A_449] {strides = array<i32>} : memref<65x128xf32, #tpu.memory_space<vmem>>, vector<1x16xf32>,
      %swap3A_451 = vector.shape_cast %swap3A_450 : vector<1x16xf32> to vector<16xf32>
      %swap3A_452 = vector.shape_cast %broadcast_in_dim3A_62 : vector<16xf32> to vector<1x16xf32>
      tpu.vector_store %arg6[%swap3A_448, %swap3A_449], %swap3A_452 {strides = array<i32>} : memref<65x128xf32, #tpu.memory_space<vmem>>, vector<1x16xf32>,
      %swap3A_453 = arith.index_cast %scan3A_437 : i32 to index
      %swap3A_454 = arith.constant 48 : index
      %swap3A_455 = tpu.vector_load %arg6[%swap3A_453, %swap3A_454] {strides = array<i32>} : memref<65x128xf32, #tpu.memory_space<vmem>>, vector<1x16xf32>,
      %swap3A_456 = vector.shape_cast %swap3A_455 : vector<1x16xf32> to vector<16xf32>
      %swap3A_457 = vector.shape_cast %broadcast_in_dim3A_62 : vector<16xf32> to vector<1x16xf32>
      tpu.vector_store %arg6[%swap3A_453, %swap3A_454], %swap3A_457 {strides = array<i32>} : memref<65x128xf32, #tpu.memory_space<vmem>>, vector<1x16xf32>,
      %swap3A_458 = arith.index_cast %scan3A_437 : i32 to index
      %swap3A_459 = arith.constant 64 : index
      %swap3A_460 = tpu.vector_load %arg6[%swap3A_458, %swap3A_459] {strides = array<i32>} : memref<65x128xf32, #tpu.memory_space<vmem>>, vector<1x16xf32>,
      %swap3A_461 = vector.shape_cast %swap3A_460 : vector<1x16xf32> to vector<16xf32>
      %swap3A_462 = vector.shape_cast %broadcast_in_dim3A_62 : vector<16xf32> to vector<1x16xf32>
      tpu.vector_store %arg6[%swap3A_458, %swap3A_459], %swap3A_462 {strides = array<i32>} : memref<65x128xf32, #tpu.memory_space<vmem>>, vector<1x16xf32>,
      %swap3A_463 = arith.index_cast %scan3A_437 : i32 to index
      %swap3A_464 = arith.constant 80 : index
      %swap3A_465 = tpu.vector_load %arg6[%swap3A_463, %swap3A_464] {strides = array<i32>} : memref<65x128xf32, #tpu.memory_space<vmem>>, vector<1x16xf32>,
      %swap3A_466 = vector.shape_cast %swap3A_465 : vector<1x16xf32> to vector<16xf32>
      %swap3A_467 = vector.shape_cast %broadcast_in_dim3A_62 : vector<16xf32> to vector<1x16xf32>
      tpu.vector_store %arg6[%swap3A_463, %swap3A_464], %swap3A_467 {strides = array<i32>} : memref<65x128xf32, #tpu.memory_space<vmem>>, vector<1x16xf32>,
      %swap3A_468 = arith.index_cast %scan3A_437 : i32 to index
      %swap3A_469 = arith.constant 96 : index
      %swap3A_470 = tpu.vector_load %arg6[%swap3A_468, %swap3A_469] {strides = array<i32>} : memref<65x128xf32, #tpu.memory_space<vmem>>, vector<1x16xf32>,
      %swap3A_471 = vector.shape_cast %swap3A_470 : vector<1x16xf32> to vector<16xf32>
      %swap3A_472 = vector.shape_cast %broadcast_in_dim3A_62 : vector<16xf32> to vector<1x16xf32>
      tpu.vector_store %arg6[%swap3A_468, %swap3A_469], %swap3A_472 {strides = array<i32>} : memref<65x128xf32, #tpu.memory_space<vmem>>, vector<1x16xf32>,
      %swap3A_473 = arith.index_cast %scan3A_437 : i32 to index
      %swap3A_474 = arith.constant 112 : index
      %swap3A_475 = tpu.vector_load %arg6[%swap3A_473, %swap3A_474] {strides = array<i32>} : memref<65x128xf32, #tpu.memory_space<vmem>>, vector<1x16xf32>,
      %swap3A_476 = vector.shape_cast %swap3A_475 : vector<1x16xf32> to vector<16xf32>
      %swap3A_477 = vector.shape_cast %broadcast_in_dim3A_62 : vector<16xf32> to vector<1x16xf32>
      tpu.vector_store %arg6[%swap3A_473, %swap3A_474], %swap3A_477 {strides = array<i32>} : memref<65x128xf32, #tpu.memory_space<vmem>>, vector<1x16xf32>,
    }
    %scan3A_67 = arith.constant 65 : i32
    %mul3A_68 = arith.constant 65 : i32
    %mul3A_69 = arith.muli %arg1, %mul3A_68 : i32
    "tpu.region"() ({
      %run_scoped3A = tpu.sem_alloc : memref<!tpu.dma_semaphore, #tpu.memory_space<semaphore_mem>>
      %dma_start3A = arith.constant 0 : i32
      %dma_start3A_437 = tpu.memref_slice %arg5[%mul3A_69, %dma_start3A] : memref<1040x128xf32, #tpu.memory_space<vmem_shared>> -> memref<65x128xf32, #tpu.memory_space<vmem_shared>>
      %dma_start3A_438 = arith.constant 0 : i32
      %dma_start3A_439 = tpu.memref_slice %arg5[%mul3A_69, %dma_start3A_438] : memref<1040x128xf32, #tpu.memory_space<vmem_shared>> -> memref<65x128xf32, #tpu.memory_space<vmem_shared>>
      tpu.enqueue_dma source(%arg6 : memref<65x128xf32, #tpu.memory_space<vmem>>) target(%dma_start3A_439 : memref<65x128xf32, #tpu.memory_space<vmem_shared>>) target_semaphore(%run_scoped3A : memref<!tpu.dma_semaphore, #tpu.memory_space<semaphore_mem>>)
      %dma_wait3A = arith.constant 0 : i32
      %dma_wait3A_440 = tpu.memref_slice %arg5[%mul3A_69, %dma_wait3A] : memref<1040x128xf32, #tpu.memory_space<vmem_shared>> -> memref<65x128xf32, #tpu.memory_space<vmem_shared>>
      %dma_wait3A_441 = arith.constant 0 : i32
      %dma_wait3A_442 = tpu.memref_slice %arg5[%mul3A_69, %dma_wait3A_441] : memref<1040x128xf32, #tpu.memory_space<vmem_shared>> -> memref<65x128xf32, #tpu.memory_space<vmem_shared>>
      tpu.wait_dma2 semaphore(%run_scoped3A : memref<!tpu.dma_semaphore, #tpu.memory_space<semaphore_mem>>) src(%arg6 : memref<65x128xf32, #tpu.memory_space<vmem>>) dst(%dma_wait3A_442 : memref<65x128xf32, #tpu.memory_space<vmem_shared>>)
      tpu.yield
    }) : () -> ()
    %broadcast_in_dim3A_70 = arith.constant 1024 : i32
    %broadcast_in_dim3A_71 = vector.broadcast %broadcast_in_dim3A_70 : i32 to vector<16xi32>
    %swap3A = arith.index_cast %select_n3A : i32 to index
    %swap3A_72 = arith.constant 0 : index
    %swap3A_73 = tpu.vector_load %arg11[%swap3A, %swap3A_72] {strides = array<i32>} : memref<22x128xi32, #tpu.memory_space<vmem>>, vector<1x16xi32>,
    %swap3A_74 = vector.shape_cast %swap3A_73 : vector<1x16xi32> to vector<16xi32>
    %swap3A_75 = vector.shape_cast %broadcast_in_dim3A_71 : vector<16xi32> to vector<1x16xi32>
    tpu.vector_store %arg11[%swap3A, %swap3A_72], %swap3A_75 {strides = array<i32>} : memref<22x128xi32, #tpu.memory_space<vmem>>, vector<1x16xi32>,
    %swap3A_76 = arith.index_cast %select_n3A : i32 to index
    %swap3A_77 = arith.constant 16 : index
    %swap3A_78 = tpu.vector_load %arg11[%swap3A_76, %swap3A_77] {strides = array<i32>} : memref<22x128xi32, #tpu.memory_space<vmem>>, vector<1x16xi32>,
    %swap3A_79 = vector.shape_cast %swap3A_78 : vector<1x16xi32> to vector<16xi32>
    %swap3A_80 = vector.shape_cast %broadcast_in_dim3A_71 : vector<16xi32> to vector<1x16xi32>
    tpu.vector_store %arg11[%swap3A_76, %swap3A_77], %swap3A_80 {strides = array<i32>} : memref<22x128xi32, #tpu.memory_space<vmem>>, vector<1x16xi32>,
    %swap3A_81 = arith.index_cast %select_n3A : i32 to index
    %swap3A_82 = arith.constant 32 : index
    %swap3A_83 = tpu.vector_load %arg11[%swap3A_81, %swap3A_82] {strides = array<i32>} : memref<22x128xi32, #tpu.memory_space<vmem>>, vector<1x16xi32>,
    %swap3A_84 = vector.shape_cast %swap3A_83 : vector<1x16xi32> to vector<16xi32>
    %swap3A_85 = vector.shape_cast %broadcast_in_dim3A_71 : vector<16xi32> to vector<1x16xi32>
    tpu.vector_store %arg11[%swap3A_81, %swap3A_82], %swap3A_85 {strides = array<i32>} : memref<22x128xi32, #tpu.memory_space<vmem>>, vector<1x16xi32>,
    %swap3A_86 = arith.index_cast %select_n3A : i32 to index
    %swap3A_87 = arith.constant 48 : index
    %swap3A_88 = tpu.vector_load %arg11[%swap3A_86, %swap3A_87] {strides = array<i32>} : memref<22x128xi32, #tpu.memory_space<vmem>>, vector<1x16xi32>,
    %swap3A_89 = vector.shape_cast %swap3A_88 : vector<1x16xi32> to vector<16xi32>
    %swap3A_90 = vector.shape_cast %broadcast_in_dim3A_71 : vector<16xi32> to vector<1x16xi32>
    tpu.vector_store %arg11[%swap3A_86, %swap3A_87], %swap3A_90 {strides = array<i32>} : memref<22x128xi32, #tpu.memory_space<vmem>>, vector<1x16xi32>,
    %swap3A_91 = arith.index_cast %select_n3A : i32 to index
    %swap3A_92 = arith.constant 64 : index
    %swap3A_93 = tpu.vector_load %arg11[%swap3A_91, %swap3A_92] {strides = array<i32>} : memref<22x128xi32, #tpu.memory_space<vmem>>, vector<1x16xi32>,
    %swap3A_94 = vector.shape_cast %swap3A_93 : vector<1x16xi32> to vector<16xi32>
    %swap3A_95 = vector.shape_cast %broadcast_in_dim3A_71 : vector<16xi32> to vector<1x16xi32>
    tpu.vector_store %arg11[%swap3A_91, %swap3A_92], %swap3A_95 {strides = array<i32>} : memref<22x128xi32, #tpu.memory_space<vmem>>, vector<1x16xi32>,
    %swap3A_96 = arith.index_cast %select_n3A : i32 to index
    %swap3A_97 = arith.constant 80 : index
    %swap3A_98 = tpu.vector_load %arg11[%swap3A_96, %swap3A_97] {strides = array<i32>} : memref<22x128xi32, #tpu.memory_space<vmem>>, vector<1x16xi32>,
    %swap3A_99 = vector.shape_cast %swap3A_98 : vector<1x16xi32> to vector<16xi32>
    %swap3A_100 = vector.shape_cast %broadcast_in_dim3A_71 : vector<16xi32> to vector<1x16xi32>
    tpu.vector_store %arg11[%swap3A_96, %swap3A_97], %swap3A_100 {strides = array<i32>} : memref<22x128xi32, #tpu.memory_space<vmem>>, vector<1x16xi32>,
    %swap3A_101 = arith.index_cast %select_n3A : i32 to index
    %swap3A_102 = arith.constant 96 : index
    %swap3A_103 = tpu.vector_load %arg11[%swap3A_101, %swap3A_102] {strides = array<i32>} : memref<22x128xi32, #tpu.memory_space<vmem>>, vector<1x16xi32>,
    %swap3A_104 = vector.shape_cast %swap3A_103 : vector<1x16xi32> to vector<16xi32>
    %swap3A_105 = vector.shape_cast %broadcast_in_dim3A_71 : vector<16xi32> to vector<1x16xi32>
    tpu.vector_store %arg11[%swap3A_101, %swap3A_102], %swap3A_105 {strides = array<i32>} : memref<22x128xi32, #tpu.memory_space<vmem>>, vector<1x16xi32>,
    %swap3A_106 = arith.index_cast %select_n3A : i32 to index
    %swap3A_107 = arith.constant 112 : index
    %swap3A_108 = tpu.vector_load %arg11[%swap3A_106, %swap3A_107] {strides = array<i32>} : memref<22x128xi32, #tpu.memory_space<vmem>>, vector<1x16xi32>,
    %swap3A_109 = vector.shape_cast %swap3A_108 : vector<1x16xi32> to vector<16xi32>
    %swap3A_110 = vector.shape_cast %broadcast_in_dim3A_71 : vector<16xi32> to vector<1x16xi32>
    tpu.vector_store %arg11[%swap3A_106, %swap3A_107], %swap3A_110 {strides = array<i32>} : memref<22x128xi32, #tpu.memory_space<vmem>>, vector<1x16xi32>,
    %mul3A_111 = arith.constant 128 : i32
    %mul3A_112 = arith.muli %select_n3A, %mul3A_111 : i32
    %add3A_113 = arith.addi %add3A_4, %mul3A_112 : i32
    %while3A_114 = arith.constant 0 : i32
    %while3A_115 = arith.constant 0 : i32
    %while3A_116 = arith.subi %select_n3A_50, %while3A_115 : i32
    %while3A_117 = arith.addi %while3A_115, %while3A_116 : i32
    %while3A_118 = arith.constant 1 : i32
    %while3A_119 = arith.divsi %while3A_116, %while3A_118 : i32
    %while3A_120 = arith.muli %while3A_119, %while3A_118 : i32
    %while3A_121 = arith.addi %while3A_115, %while3A_120 : i32
    %while3A_122 = arith.constant 1 : i32
    scf.for %while3A_437 = %while3A_115 to %while3A_121 step %while3A_122  : i32 {
      %mul3A_438 = arith.constant 8 : i32
      %mul3A_439 = arith.muli %while3A_437, %mul3A_438 : i32
      %add3A_440 = arith.addi %add3A_113, %mul3A_439 : i32
      %mul3A_441 = arith.constant 8 : i32
      %mul3A_442 = arith.muli %while3A_437, %mul3A_441 : i32
      "tpu.region"() ({
        %run_scoped3A = tpu.sem_alloc : memref<!tpu.dma_semaphore, #tpu.memory_space<semaphore_mem>>
        %dma_start3A = tpu.memref_slice %arg11[%select_n3A, %mul3A_442] : memref<22x128xi32, #tpu.memory_space<vmem>> -> memref<1x8xi32, #tpu.memory_space<vmem>>
        %dma_start3A_445 = tpu.memref_squeeze %dma_start3A : memref<1x8xi32, #tpu.memory_space<vmem>> -> memref<8xi32, #tpu.memory_space<vmem>>
        %dma_start3A_446 = tpu.memref_slice %arg3[%add3A_440] : memref<100000xi32, #tpu.memory_space<hbm>> -> memref<8xi32, #tpu.memory_space<hbm>>
        %dma_start3A_447 = tpu.memref_slice %arg11[%select_n3A, %mul3A_442] : memref<22x128xi32, #tpu.memory_space<vmem>> -> memref<1x8xi32, #tpu.memory_space<vmem>>
        %dma_start3A_448 = tpu.memref_squeeze %dma_start3A_447 : memref<1x8xi32, #tpu.memory_space<vmem>> -> memref<8xi32, #tpu.memory_space<vmem>>
        %dma_start3A_449 = tpu.memref_slice %arg3[%add3A_440] : memref<100000xi32, #tpu.memory_space<hbm>> -> memref<8xi32, #tpu.memory_space<hbm>>
        tpu.enqueue_dma source(%dma_start3A_449 : memref<8xi32, #tpu.memory_space<hbm>>) target(%dma_start3A_448 : memref<8xi32, #tpu.memory_space<vmem>>) target_semaphore(%run_scoped3A : memref<!tpu.dma_semaphore, #tpu.memory_space<semaphore_mem>>)
        %dma_wait3A = tpu.memref_slice %arg11[%select_n3A, %mul3A_442] : memref<22x128xi32, #tpu.memory_space<vmem>> -> memref<1x8xi32, #tpu.memory_space<vmem>>
        %dma_wait3A_450 = tpu.memref_squeeze %dma_wait3A : memref<1x8xi32, #tpu.memory_space<vmem>> -> memref<8xi32, #tpu.memory_space<vmem>>
        %dma_wait3A_451 = tpu.memref_slice %arg3[%add3A_440] : memref<100000xi32, #tpu.memory_space<hbm>> -> memref<8xi32, #tpu.memory_space<hbm>>
        %dma_wait3A_452 = tpu.memref_slice %arg11[%select_n3A, %mul3A_442] : memref<22x128xi32, #tpu.memory_space<vmem>> -> memref<1x8xi32, #tpu.memory_space<vmem>>
        %dma_wait3A_453 = tpu.memref_squeeze %dma_wait3A_452 : memref<1x8xi32, #tpu.memory_space<vmem>> -> memref<8xi32, #tpu.memory_space<vmem>>
        %dma_wait3A_454 = tpu.memref_slice %arg3[%add3A_440] : memref<100000xi32, #tpu.memory_space<hbm>> -> memref<8xi32, #tpu.memory_space<hbm>>
        tpu.wait_dma2 semaphore(%run_scoped3A : memref<!tpu.dma_semaphore, #tpu.memory_space<semaphore_mem>>) src(%dma_wait3A_454 : memref<8xi32, #tpu.memory_space<hbm>>) dst(%dma_wait3A_453 : memref<8xi32, #tpu.memory_space<vmem>>)
        tpu.yield
      }) : () -> ()
      %mul3A_443 = arith.constant 8 : i32
      %mul3A_444 = arith.muli %while3A_437, %mul3A_443 : i32
      "tpu.region"() ({
        %run_scoped3A = tpu.sem_alloc : memref<!tpu.dma_semaphore, #tpu.memory_space<semaphore_mem>>
        %dma_start3A = arith.constant 0 : i32
        %dma_start3A_445 = tpu.memref_slice %arg10[%mul3A_444, %dma_start3A] : memref<128x128xf32, #tpu.memory_space<vmem>> -> memref<8x128xf32, #tpu.memory_space<vmem>>
        %dma_start3A_446 = arith.constant 0 : i32
        %dma_start3A_447 = tpu.memref_slice %arg2[%add3A_440, %dma_start3A_446] : memref<100000x128xf32, #tpu.memory_space<hbm>> -> memref<8x128xf32, #tpu.memory_space<hbm>>
        %dma_start3A_448 = arith.constant 0 : i32
        %dma_start3A_449 = tpu.memref_slice %arg10[%mul3A_444, %dma_start3A_448] : memref<128x128xf32, #tpu.memory_space<vmem>> -> memref<8x128xf32, #tpu.memory_space<vmem>>
        %dma_start3A_450 = arith.constant 0 : i32
        %dma_start3A_451 = tpu.memref_slice %arg2[%add3A_440, %dma_start3A_450] : memref<100000x128xf32, #tpu.memory_space<hbm>> -> memref<8x128xf32, #tpu.memory_space<hbm>>
        tpu.enqueue_dma source(%dma_start3A_451 : memref<8x128xf32, #tpu.memory_space<hbm>>) target(%dma_start3A_449 : memref<8x128xf32, #tpu.memory_space<vmem>>) target_semaphore(%run_scoped3A : memref<!tpu.dma_semaphore, #tpu.memory_space<semaphore_mem>>)
        %dma_wait3A = arith.constant 0 : i32
        %dma_wait3A_452 = tpu.memref_slice %arg10[%mul3A_444, %dma_wait3A] : memref<128x128xf32, #tpu.memory_space<vmem>> -> memref<8x128xf32, #tpu.memory_space<vmem>>
        %dma_wait3A_453 = arith.constant 0 : i32
        %dma_wait3A_454 = tpu.memref_slice %arg2[%add3A_440, %dma_wait3A_453] : memref<100000x128xf32, #tpu.memory_space<hbm>> -> memref<8x128xf32, #tpu.memory_space<hbm>>
        %dma_wait3A_455 = arith.constant 0 : i32
        %dma_wait3A_456 = tpu.memref_slice %arg10[%mul3A_444, %dma_wait3A_455] : memref<128x128xf32, #tpu.memory_space<vmem>> -> memref<8x128xf32, #tpu.memory_space<vmem>>
        %dma_wait3A_457 = arith.constant 0 : i32
        %dma_wait3A_458 = tpu.memref_slice %arg2[%add3A_440, %dma_wait3A_457] : memref<100000x128xf32, #tpu.memory_space<hbm>> -> memref<8x128xf32, #tpu.memory_space<hbm>>
        tpu.wait_dma2 semaphore(%run_scoped3A : memref<!tpu.dma_semaphore, #tpu.memory_space<semaphore_mem>>) src(%dma_wait3A_458 : memref<8x128xf32, #tpu.memory_space<hbm>>) dst(%dma_wait3A_456 : memref<8x128xf32, #tpu.memory_space<vmem>>)
        tpu.yield
      }) : () -> ()
    }
    %while3A_123 = arith.constant 1 : i32
    scf.for %while3A_437 = %while3A_121 to %while3A_117 step %while3A_123  : i32 {
      %mul3A_438 = arith.constant 8 : i32
      %mul3A_439 = arith.muli %while3A_437, %mul3A_438 : i32
      %add3A_440 = arith.addi %add3A_113, %mul3A_439 : i32
      %mul3A_441 = arith.constant 8 : i32
      %mul3A_442 = arith.muli %while3A_437, %mul3A_441 : i32
      "tpu.region"() ({
        %run_scoped3A = tpu.sem_alloc : memref<!tpu.dma_semaphore, #tpu.memory_space<semaphore_mem>>
        %dma_start3A = tpu.memref_slice %arg11[%select_n3A, %mul3A_442] : memref<22x128xi32, #tpu.memory_space<vmem>> -> memref<1x8xi32, #tpu.memory_space<vmem>>
        %dma_start3A_445 = tpu.memref_squeeze %dma_start3A : memref<1x8xi32, #tpu.memory_space<vmem>> -> memref<8xi32, #tpu.memory_space<vmem>>
        %dma_start3A_446 = tpu.memref_slice %arg3[%add3A_440] : memref<100000xi32, #tpu.memory_space<hbm>> -> memref<8xi32, #tpu.memory_space<hbm>>
        %dma_start3A_447 = tpu.memref_slice %arg11[%select_n3A, %mul3A_442] : memref<22x128xi32, #tpu.memory_space<vmem>> -> memref<1x8xi32, #tpu.memory_space<vmem>>
        %dma_start3A_448 = tpu.memref_squeeze %dma_start3A_447 : memref<1x8xi32, #tpu.memory_space<vmem>> -> memref<8xi32, #tpu.memory_space<vmem>>
        %dma_start3A_449 = tpu.memref_slice %arg3[%add3A_440] : memref<100000xi32, #tpu.memory_space<hbm>> -> memref<8xi32, #tpu.memory_space<hbm>>
        tpu.enqueue_dma source(%dma_start3A_449 : memref<8xi32, #tpu.memory_space<hbm>>) target(%dma_start3A_448 : memref<8xi32, #tpu.memory_space<vmem>>) target_semaphore(%run_scoped3A : memref<!tpu.dma_semaphore, #tpu.memory_space<semaphore_mem>>)
        %dma_wait3A = tpu.memref_slice %arg11[%select_n3A, %mul3A_442] : memref<22x128xi32, #tpu.memory_space<vmem>> -> memref<1x8xi32, #tpu.memory_space<vmem>>
        %dma_wait3A_450 = tpu.memref_squeeze %dma_wait3A : memref<1x8xi32, #tpu.memory_space<vmem>> -> memref<8xi32, #tpu.memory_space<vmem>>
        %dma_wait3A_451 = tpu.memref_slice %arg3[%add3A_440] : memref<100000xi32, #tpu.memory_space<hbm>> -> memref<8xi32, #tpu.memory_space<hbm>>
        %dma_wait3A_452 = tpu.memref_slice %arg11[%select_n3A, %mul3A_442] : memref<22x128xi32, #tpu.memory_space<vmem>> -> memref<1x8xi32, #tpu.memory_space<vmem>>
        %dma_wait3A_453 = tpu.memref_squeeze %dma_wait3A_452 : memref<1x8xi32, #tpu.memory_space<vmem>> -> memref<8xi32, #tpu.memory_space<vmem>>
        %dma_wait3A_454 = tpu.memref_slice %arg3[%add3A_440] : memref<100000xi32, #tpu.memory_space<hbm>> -> memref<8xi32, #tpu.memory_space<hbm>>
        tpu.wait_dma2 semaphore(%run_scoped3A : memref<!tpu.dma_semaphore, #tpu.memory_space<semaphore_mem>>) src(%dma_wait3A_454 : memref<8xi32, #tpu.memory_space<hbm>>) dst(%dma_wait3A_453 : memref<8xi32, #tpu.memory_space<vmem>>)
        tpu.yield
      }) : () -> ()
      %mul3A_443 = arith.constant 8 : i32
      %mul3A_444 = arith.muli %while3A_437, %mul3A_443 : i32
      "tpu.region"() ({
        %run_scoped3A = tpu.sem_alloc : memref<!tpu.dma_semaphore, #tpu.memory_space<semaphore_mem>>
        %dma_start3A = arith.constant 0 : i32
        %dma_start3A_445 = tpu.memref_slice %arg10[%mul3A_444, %dma_start3A] : memref<128x128xf32, #tpu.memory_space<vmem>> -> memref<8x128xf32, #tpu.memory_space<vmem>>
        %dma_start3A_446 = arith.constant 0 : i32
        %dma_start3A_447 = tpu.memref_slice %arg2[%add3A_440, %dma_start3A_446] : memref<100000x128xf32, #tpu.memory_space<hbm>> -> memref<8x128xf32, #tpu.memory_space<hbm>>
        %dma_start3A_448 = arith.constant 0 : i32
        %dma_start3A_449 = tpu.memref_slice %arg10[%mul3A_444, %dma_start3A_448] : memref<128x128xf32, #tpu.memory_space<vmem>> -> memref<8x128xf32, #tpu.memory_space<vmem>>
        %dma_start3A_450 = arith.constant 0 : i32
        %dma_start3A_451 = tpu.memref_slice %arg2[%add3A_440, %dma_start3A_450] : memref<100000x128xf32, #tpu.memory_space<hbm>> -> memref<8x128xf32, #tpu.memory_space<hbm>>
        tpu.enqueue_dma source(%dma_start3A_451 : memref<8x128xf32, #tpu.memory_space<hbm>>) target(%dma_start3A_449 : memref<8x128xf32, #tpu.memory_space<vmem>>) target_semaphore(%run_scoped3A : memref<!tpu.dma_semaphore, #tpu.memory_space<semaphore_mem>>)
        %dma_wait3A = arith.constant 0 : i32
        %dma_wait3A_452 = tpu.memref_slice %arg10[%mul3A_444, %dma_wait3A] : memref<128x128xf32, #tpu.memory_space<vmem>> -> memref<8x128xf32, #tpu.memory_space<vmem>>
        %dma_wait3A_453 = arith.constant 0 : i32
        %dma_wait3A_454 = tpu.memref_slice %arg2[%add3A_440, %dma_wait3A_453] : memref<100000x128xf32, #tpu.memory_space<hbm>> -> memref<8x128xf32, #tpu.memory_space<hbm>>
        %dma_wait3A_455 = arith.constant 0 : i32
        %dma_wait3A_456 = tpu.memref_slice %arg10[%mul3A_444, %dma_wait3A_455] : memref<128x128xf32, #tpu.memory_space<vmem>> -> memref<8x128xf32, #tpu.memory_space<vmem>>
        %dma_wait3A_457 = arith.constant 0 : i32
        %dma_wait3A_458 = tpu.memref_slice %arg2[%add3A_440, %dma_wait3A_457] : memref<100000x128xf32, #tpu.memory_space<hbm>> -> memref<8x128xf32, #tpu.memory_space<hbm>>
        tpu.wait_dma2 semaphore(%run_scoped3A : memref<!tpu.dma_semaphore, #tpu.memory_space<semaphore_mem>>) src(%dma_wait3A_458 : memref<8x128xf32, #tpu.memory_space<hbm>>) dst(%dma_wait3A_456 : memref<8x128xf32, #tpu.memory_space<vmem>>)
        tpu.yield
      }) : () -> ()
    }
    %while3A_124 = arith.constant 0 : i32
    %while3A_125 = arith.constant 0 : i32
    %while3A_126 = arith.subi %select_n3A, %while3A_125 : i32
    %while3A_127 = arith.addi %while3A_125, %while3A_126 : i32
    %while3A_128 = arith.constant 1 : i32
    %while3A_129 = arith.divsi %while3A_126, %while3A_128 : i32
    %while3A_130 = arith.muli %while3A_129, %while3A_128 : i32
    %while3A_131 = arith.addi %while3A_125, %while3A_130 : i32
    %while3A_132 = arith.constant 1 : i32
    scf.for %while3A_437 = %while3A_125 to %while3A_131 step %while3A_132  : i32 {
      %mul3A_438 = arith.constant 128 : i32
      %mul3A_439 = arith.muli %while3A_437, %mul3A_438 : i32
      %add3A_440 = arith.addi %add3A_4, %mul3A_439 : i32
      %dma_wait3A = arith.constant 0 : i32
      %dma_wait3A_441 = tpu.memref_slice %arg11[%while3A_437, %dma_wait3A] : memref<22x128xi32, #tpu.memory_space<vmem>> -> memref<1x128xi32, #tpu.memory_space<vmem>>
      %dma_wait3A_442 = tpu.memref_squeeze %dma_wait3A_441 : memref<1x128xi32, #tpu.memory_space<vmem>> -> memref<128xi32, #tpu.memory_space<vmem>>
      %dma_wait3A_443 = tpu.memref_slice %arg3[%add3A_440] : memref<100000xi32, #tpu.memory_space<hbm>> -> memref<128xi32, #tpu.memory_space<hbm>>
      %dma_wait3A_444 = arith.constant 0 : i32
      %dma_wait3A_445 = tpu.memref_slice %arg11[%while3A_437, %dma_wait3A_444] : memref<22x128xi32, #tpu.memory_space<vmem>> -> memref<1x128xi32, #tpu.memory_space<vmem>>
      %dma_wait3A_446 = tpu.memref_squeeze %dma_wait3A_445 : memref<1x128xi32, #tpu.memory_space<vmem>> -> memref<128xi32, #tpu.memory_space<vmem>>
      %dma_wait3A_447 = tpu.memref_slice %arg3[%add3A_440] : memref<100000xi32, #tpu.memory_space<hbm>> -> memref<128xi32, #tpu.memory_space<hbm>>
      tpu.wait_dma2 semaphore(%arg20 : memref<!tpu.dma_semaphore, #tpu.memory_space<semaphore_mem>>) src(%dma_wait3A_447 : memref<128xi32, #tpu.memory_space<hbm>>) dst(%dma_wait3A_446 : memref<128xi32, #tpu.memory_space<vmem>>)
    }
    %while3A_133 = arith.constant 1 : i32
    scf.for %while3A_437 = %while3A_131 to %while3A_127 step %while3A_133  : i32 {
      %mul3A_438 = arith.constant 128 : i32
      %mul3A_439 = arith.muli %while3A_437, %mul3A_438 : i32
      %add3A_440 = arith.addi %add3A_4, %mul3A_439 : i32
      %dma_wait3A = arith.constant 0 : i32
      %dma_wait3A_441 = tpu.memref_slice %arg11[%while3A_437, %dma_wait3A] : memref<22x128xi32, #tpu.memory_space<vmem>> -> memref<1x128xi32, #tpu.memory_space<vmem>>
      %dma_wait3A_442 = tpu.memref_squeeze %dma_wait3A_441 : memref<1x128xi32, #tpu.memory_space<vmem>> -> memref<128xi32, #tpu.memory_space<vmem>>
      %dma_wait3A_443 = tpu.memref_slice %arg3[%add3A_440] : memref<100000xi32, #tpu.memory_space<hbm>> -> memref<128xi32, #tpu.memory_space<hbm>>
      %dma_wait3A_444 = arith.constant 0 : i32
      %dma_wait3A_445 = tpu.memref_slice %arg11[%while3A_437, %dma_wait3A_444] : memref<22x128xi32, #tpu.memory_space<vmem>> -> memref<1x128xi32, #tpu.memory_space<vmem>>
      %dma_wait3A_446 = tpu.memref_squeeze %dma_wait3A_445 : memref<1x128xi32, #tpu.memory_space<vmem>> -> memref<128xi32, #tpu.memory_space<vmem>>
      %dma_wait3A_447 = tpu.memref_slice %arg3[%add3A_440] : memref<100000xi32, #tpu.memory_space<hbm>> -> memref<128xi32, #tpu.memory_space<hbm>>
      tpu.wait_dma2 semaphore(%arg20 : memref<!tpu.dma_semaphore, #tpu.memory_space<semaphore_mem>>) src(%dma_wait3A_447 : memref<128xi32, #tpu.memory_space<hbm>>) dst(%dma_wait3A_446 : memref<128xi32, #tpu.memory_space<vmem>>)
    }
    %barrier3A = arith.constant 0 : index
    tpu.barrier barrier_id(%barrier3A)
    %gt3A_134 = arith.constant 0 : i32
    %gt3A_135 = arith.cmpi sgt, %select_n3A_50, %gt3A_134 : i32
    %convert_element_type3A_136 = arith.extui %gt3A_135 : i1 to i32
    %cond3A_137 = arith.constant 0 : i32
    %cond3A_138 = arith.cmpi ne, %convert_element_type3A_136, %cond3A_137 : i32
    scf.if %cond3A_138 {
      "tpu.region"() ({
        %run_scoped3A = tpu.sem_alloc : memref<!tpu.dma_semaphore, #tpu.memory_space<semaphore_mem>>
        %dma_start3A = arith.constant 0 : i32
        %dma_start3A_437 = tpu.memref_slice %arg11[%select_n3A, %dma_start3A] : memref<22x128xi32, #tpu.memory_space<vmem>> -> memref<1x128xi32, #tpu.memory_space<vmem>>
        %dma_start3A_438 = tpu.memref_squeeze %dma_start3A_437 : memref<1x128xi32, #tpu.memory_space<vmem>> -> memref<128xi32, #tpu.memory_space<vmem>>
        %dma_start3A_439 = arith.constant 0 : i32
        %dma_start3A_440 = arith.constant 0 : i32
        %dma_start3A_441 = tpu.memref_slice %arg5[%dma_start3A_439, %dma_start3A_440] : memref<1040x128xf32, #tpu.memory_space<vmem_shared>> -> memref<1040x128xf32, #tpu.memory_space<vmem_shared>>
        tpu.enqueue_indirect_dma source(%arg10 : memref<128x128xf32, #tpu.memory_space<vmem>>) target(%dma_start3A_441 : memref<1040x128xf32, #tpu.memory_space<vmem_shared>>) offsets(%dma_start3A_438 : memref<128xi32, #tpu.memory_space<vmem>>) semaphore(%run_scoped3A : memref<!tpu.dma_semaphore, #tpu.memory_space<semaphore_mem>>) {add = true}
        %dma_wait3A = arith.constant 0 : i32
        %dma_wait3A_442 = tpu.memref_slice %arg11[%select_n3A, %dma_wait3A] : memref<22x128xi32, #tpu.memory_space<vmem>> -> memref<1x128xi32, #tpu.memory_space<vmem>>
        %dma_wait3A_443 = tpu.memref_squeeze %dma_wait3A_442 : memref<1x128xi32, #tpu.memory_space<vmem>> -> memref<128xi32, #tpu.memory_space<vmem>>
        %dma_wait3A_444 = arith.constant 0 : i32
        %dma_wait3A_445 = arith.constant 0 : i32
        %dma_wait3A_446 = tpu.memref_slice %arg5[%dma_wait3A_444, %dma_wait3A_445] : memref<1040x128xf32, #tpu.memory_space<vmem_shared>> -> memref<1040x128xf32, #tpu.memory_space<vmem_shared>>
        tpu.wait_indirect_dma semaphore(%run_scoped3A : memref<!tpu.dma_semaphore, #tpu.memory_space<semaphore_mem>>) src(%arg10 : memref<128x128xf32, #tpu.memory_space<vmem>>) dst(%dma_wait3A_446 : memref<1040x128xf32, #tpu.memory_space<vmem_shared>>)
        tpu.yield
      }) : () -> ()
    } else {
    }
    %add3A_139 = arith.constant 3 : i32
    %add3A_140 = arith.addi %select_n3A, %add3A_139 : i32
    %jit3A_141 = arith.constant 4 : i32
    %div3A_142 = arith.divsi %add3A_140, %jit3A_141 : i32
    %sign3A_143 = arith.constant 0 : i32
    %sign3A_144 = arith.cmpi sgt, %add3A_140, %sign3A_143 : i32
    %sign3A_145 = arith.extui %sign3A_144 : i1 to i32
    %sign3A_146 = arith.constant 0 : i32
    %sign3A_147 = arith.cmpi slt, %add3A_140, %sign3A_146 : i32
    %sign3A_148 = arith.extui %sign3A_147 : i1 to i32
    %sign3A_149 = arith.subi %sign3A_145, %sign3A_148 : i32
    %sign3A_150 = arith.constant 0 : i32
    %sign3A_151 = arith.cmpi sgt, %jit3A_141, %sign3A_150 : i32
    %sign3A_152 = arith.extui %sign3A_151 : i1 to i32
    %sign3A_153 = arith.constant 0 : i32
    %sign3A_154 = arith.cmpi slt, %jit3A_141, %sign3A_153 : i32
    %sign3A_155 = arith.extui %sign3A_154 : i1 to i32
    %sign3A_156 = arith.subi %sign3A_152, %sign3A_155 : i32
    %ne3A_157 = arith.cmpi ne, %sign3A_149, %sign3A_156 : i32
    %rem3A_158 = arith.remsi %add3A_140, %jit3A_141 : i32
    %ne3A_159 = arith.constant 0 : i32
    %ne3A_160 = arith.cmpi ne, %rem3A_158, %ne3A_159 : i32
    %and3A_161 = arith.andi %ne3A_157, %ne3A_160 : i1
    %sub3A_162 = arith.constant 1 : i32
    %sub3A_163 = arith.subi %div3A_142, %sub3A_162 : i32
    %select_n3A_164 = arith.select %and3A_161, %sub3A_163, %div3A_142 : i32
    %while3A_165 = arith.constant 0 : i32
    %while3A_166 = arith.constant 0 : i32
    %while3A_167 = arith.subi %select_n3A_164, %while3A_166 : i32
    %while3A_168 = arith.addi %while3A_166, %while3A_167 : i32
    %while3A_169 = arith.constant 1 : i32
    %while3A_170 = arith.divsi %while3A_167, %while3A_169 : i32
    %while3A_171 = arith.muli %while3A_170, %while3A_169 : i32
    %while3A_172 = arith.addi %while3A_166, %while3A_171 : i32
    %while3A_173 = arith.constant 1 : i32
    scf.for %while3A_437 = %while3A_166 to %while3A_172 step %while3A_173  : i32 {
      %mul3A_438 = arith.constant 4 : i32
      %mul3A_439 = arith.muli %mul3A_438, %while3A_437 : i32
      %add3A_440 = arith.constant 0 : i32
      %add3A_441 = arith.addi %mul3A_439, %add3A_440 : i32
      %mul3A_442 = arith.constant 128 : i32
      %mul3A_443 = arith.muli %add3A_441, %mul3A_442 : i32
      %add3A_444 = arith.addi %add3A_4, %mul3A_443 : i32
      %dma_wait3A = arith.constant 0 : i32
      %dma_wait3A_445 = tpu.memref_slice %arg2[%add3A_444, %dma_wait3A] : memref<100000x128xf32, #tpu.memory_space<hbm>> -> memref<128x128xf32, #tpu.memory_space<hbm>>
      %dma_wait3A_446 = arith.constant 0 : i32
      %dma_wait3A_447 = tpu.memref_slice %arg2[%add3A_444, %dma_wait3A_446] : memref<100000x128xf32, #tpu.memory_space<hbm>> -> memref<128x128xf32, #tpu.memory_space<hbm>>
      tpu.wait_dma2 semaphore(%arg12 : memref<!tpu.dma_semaphore, #tpu.memory_space<semaphore_mem>>) src(%dma_wait3A_447 : memref<128x128xf32, #tpu.memory_space<hbm>>) dst(%arg7 : memref<128x128xf32, #tpu.memory_space<vmem>>)
      %dma_start3A = arith.constant 0 : i32
      %dma_start3A_448 = tpu.memref_slice %arg11[%add3A_441, %dma_start3A] : memref<22x128xi32, #tpu.memory_space<vmem>> -> memref<1x128xi32, #tpu.memory_space<vmem>>
      %dma_start3A_449 = tpu.memref_squeeze %dma_start3A_448 : memref<1x128xi32, #tpu.memory_space<vmem>> -> memref<128xi32, #tpu.memory_space<vmem>>
      %dma_start3A_450 = arith.constant 0 : i32
      %dma_start3A_451 = arith.constant 0 : i32
      %dma_start3A_452 = tpu.memref_slice %arg5[%dma_start3A_450, %dma_start3A_451] : memref<1040x128xf32, #tpu.memory_space<vmem_shared>> -> memref<1040x128xf32, #tpu.memory_space<vmem_shared>>
      tpu.enqueue_indirect_dma source(%arg7 : memref<128x128xf32, #tpu.memory_space<vmem>>) target(%dma_start3A_452 : memref<1040x128xf32, #tpu.memory_space<vmem_shared>>) offsets(%dma_start3A_449 : memref<128xi32, #tpu.memory_space<vmem>>) semaphore(%arg16 : memref<!tpu.dma_semaphore, #tpu.memory_space<semaphore_mem>>) {add = true}
      %ge3A = arith.constant 3 : i32
      %ge3A_453 = arith.cmpi sge, %add3A_441, %ge3A : i32
      %convert_element_type3A_454 = arith.extui %ge3A_453 : i1 to i32
      %cond3A_455 = arith.constant 0 : i32
      %cond3A_456 = arith.cmpi ne, %convert_element_type3A_454, %cond3A_455 : i32
      scf.if %cond3A_456 {
        %dma_wait3A_487 = arith.constant 0 : i32
        %dma_wait3A_488 = arith.constant 0 : i32
        %dma_wait3A_489 = tpu.memref_slice %arg11[%dma_wait3A_487, %dma_wait3A_488] : memref<22x128xi32, #tpu.memory_space<vmem>> -> memref<1x128xi32, #tpu.memory_space<vmem>>
        %dma_wait3A_490 = tpu.memref_squeeze %dma_wait3A_489 : memref<1x128xi32, #tpu.memory_space<vmem>> -> memref<128xi32, #tpu.memory_space<vmem>>
        %dma_wait3A_491 = arith.constant 0 : i32
        %dma_wait3A_492 = arith.constant 0 : i32
        %dma_wait3A_493 = tpu.memref_slice %arg5[%dma_wait3A_491, %dma_wait3A_492] : memref<1040x128xf32, #tpu.memory_space<vmem_shared>> -> memref<1040x128xf32, #tpu.memory_space<vmem_shared>>
        tpu.wait_indirect_dma semaphore(%arg17 : memref<!tpu.dma_semaphore, #tpu.memory_space<semaphore_mem>>) src(%arg8 : memref<128x128xf32, #tpu.memory_space<vmem>>) dst(%dma_wait3A_493 : memref<1040x128xf32, #tpu.memory_space<vmem_shared>>)
      } else {
      }
      %add3A_457 = arith.constant 1 : i32
      %add3A_458 = arith.addi %add3A_441, %add3A_457 : i32
      %lt3A_459 = arith.cmpi slt, %add3A_458, %select_n3A : i32
      %convert_element_type3A_460 = arith.extui %lt3A_459 : i1 to i32
      %cond3A_461 = arith.constant 0 : i32
      %cond3A_462 = arith.cmpi ne, %convert_element_type3A_460, %cond3A_461 : i32
      scf.if %cond3A_462 {
        %add3A_487 = arith.constant 128 : i32
        %add3A_488 = arith.addi %add3A_444, %add3A_487 : i32
        %dma_start3A_489 = arith.constant 0 : i32
        %dma_start3A_490 = tpu.memref_slice %arg2[%add3A_488, %dma_start3A_489] : memref<100000x128xf32, #tpu.memory_space<hbm>> -> memref<128x128xf32, #tpu.memory_space<hbm>>
        %dma_start3A_491 = arith.constant 0 : i32
        %dma_start3A_492 = tpu.memref_slice %arg2[%add3A_488, %dma_start3A_491] : memref<100000x128xf32, #tpu.memory_space<hbm>> -> memref<128x128xf32, #tpu.memory_space<hbm>>
        tpu.enqueue_dma source(%dma_start3A_492 : memref<128x128xf32, #tpu.memory_space<hbm>>) target(%arg8 : memref<128x128xf32, #tpu.memory_space<vmem>>) target_semaphore(%arg13 : memref<!tpu.dma_semaphore, #tpu.memory_space<semaphore_mem>>)
      } else {
      }
      %mul3A_463 = arith.constant 4 : i32
      %mul3A_464 = arith.muli %mul3A_463, %while3A_437 : i32
      %add3A_465 = arith.constant 1 : i32
      %add3A_466 = arith.addi %mul3A_464, %add3A_465 : i32
      %lt3A_467 = arith.cmpi slt, %add3A_466, %select_n3A : i32
      %convert_element_type3A_468 = arith.extui %lt3A_467 : i1 to i32
      %cond3A_469 = arith.constant 0 : i32
      %cond3A_470 = arith.cmpi ne, %convert_element_type3A_468, %cond3A_469 : i32
      scf.if %cond3A_470 {
        %mul3A_487 = arith.constant 128 : i32
        %mul3A_488 = arith.muli %add3A_466, %mul3A_487 : i32
        %add3A_489 = arith.addi %add3A_4, %mul3A_488 : i32
        %dma_wait3A_490 = arith.constant 0 : i32
        %dma_wait3A_491 = tpu.memref_slice %arg2[%add3A_489, %dma_wait3A_490] : memref<100000x128xf32, #tpu.memory_space<hbm>> -> memref<128x128xf32, #tpu.memory_space<hbm>>
        %dma_wait3A_492 = arith.constant 0 : i32
        %dma_wait3A_493 = tpu.memref_slice %arg2[%add3A_489, %dma_wait3A_492] : memref<100000x128xf32, #tpu.memory_space<hbm>> -> memref<128x128xf32, #tpu.memory_space<hbm>>
        tpu.wait_dma2 semaphore(%arg13 : memref<!tpu.dma_semaphore, #tpu.memory_space<semaphore_mem>>) src(%dma_wait3A_493 : memref<128x128xf32, #tpu.memory_space<hbm>>) dst(%arg8 : memref<128x128xf32, #tpu.memory_space<vmem>>)
        %dma_start3A_494 = arith.constant 0 : i32
        %dma_start3A_495 = tpu.memref_slice %arg11[%add3A_466, %dma_start3A_494] : memref<22x128xi32, #tpu.memory_space<vmem>> -> memref<1x128xi32, #tpu.memory_space<vmem>>
        %dma_start3A_496 = tpu.memref_squeeze %dma_start3A_495 : memref<1x128xi32, #tpu.memory_space<vmem>> -> memref<128xi32, #tpu.memory_space<vmem>>
        %dma_start3A_497 = arith.constant 0 : i32
        %dma_start3A_498 = arith.constant 0 : i32
        %dma_start3A_499 = tpu.memref_slice %arg5[%dma_start3A_497, %dma_start3A_498] : memref<1040x128xf32, #tpu.memory_space<vmem_shared>> -> memref<1040x128xf32, #tpu.memory_space<vmem_shared>>
        tpu.enqueue_indirect_dma source(%arg8 : memref<128x128xf32, #tpu.memory_space<vmem>>) target(%dma_start3A_499 : memref<1040x128xf32, #tpu.memory_space<vmem_shared>>) offsets(%dma_start3A_496 : memref<128xi32, #tpu.memory_space<vmem>>) semaphore(%arg17 : memref<!tpu.dma_semaphore, #tpu.memory_space<semaphore_mem>>) {add = true}
        %ge3A_500 = arith.constant 3 : i32
        %ge3A_501 = arith.cmpi sge, %add3A_466, %ge3A_500 : i32
        %convert_element_type3A_502 = arith.extui %ge3A_501 : i1 to i32
        %cond3A_503 = arith.constant 0 : i32
        %cond3A_504 = arith.cmpi ne, %convert_element_type3A_502, %cond3A_503 : i32
        scf.if %cond3A_504 {
          %dma_wait3A_511 = arith.constant 0 : i32
          %dma_wait3A_512 = arith.constant 0 : i32
          %dma_wait3A_513 = tpu.memref_slice %arg11[%dma_wait3A_511, %dma_wait3A_512] : memref<22x128xi32, #tpu.memory_space<vmem>> -> memref<1x128xi32, #tpu.memory_space<vmem>>
          %dma_wait3A_514 = tpu.memref_squeeze %dma_wait3A_513 : memref<1x128xi32, #tpu.memory_space<vmem>> -> memref<128xi32, #tpu.memory_space<vmem>>
          %dma_wait3A_515 = arith.constant 0 : i32
          %dma_wait3A_516 = arith.constant 0 : i32
          %dma_wait3A_517 = tpu.memref_slice %arg5[%dma_wait3A_515, %dma_wait3A_516] : memref<1040x128xf32, #tpu.memory_space<vmem_shared>> -> memref<1040x128xf32, #tpu.memory_space<vmem_shared>>
          tpu.wait_indirect_dma semaphore(%arg18 : memref<!tpu.dma_semaphore, #tpu.memory_space<semaphore_mem>>) src(%arg9 : memref<128x128xf32, #tpu.memory_space<vmem>>) dst(%dma_wait3A_517 : memref<1040x128xf32, #tpu.memory_space<vmem_shared>>)
        } else {
        }
        %add3A_505 = arith.constant 1 : i32
        %add3A_506 = arith.addi %add3A_466, %add3A_505 : i32
        %lt3A_507 = arith.cmpi slt, %add3A_506, %select_n3A : i32
        %convert_element_type3A_508 = arith.extui %lt3A_507 : i1 to i32
        %cond3A_509 = arith.constant 0 : i32
        %cond3A_510 = arith.cmpi ne, %convert_element_type3A_508, %cond3A_509 : i32
        scf.if %cond3A_510 {
          %add3A_511 = arith.constant 128 : i32
          %add3A_512 = arith.addi %add3A_489, %add3A_511 : i32
          %dma_start3A_513 = arith.constant 0 : i32
          %dma_start3A_514 = tpu.memref_slice %arg2[%add3A_512, %dma_start3A_513] : memref<100000x128xf32, #tpu.memory_space<hbm>> -> memref<128x128xf32, #tpu.memory_space<hbm>>
          %dma_start3A_515 = arith.constant 0 : i32
          %dma_start3A_516 = tpu.memref_slice %arg2[%add3A_512, %dma_start3A_515] : memref<100000x128xf32, #tpu.memory_space<hbm>> -> memref<128x128xf32, #tpu.memory_space<hbm>>
          tpu.enqueue_dma source(%dma_start3A_516 : memref<128x128xf32, #tpu.memory_space<hbm>>) target(%arg9 : memref<128x128xf32, #tpu.memory_space<vmem>>) target_semaphore(%arg14 : memref<!tpu.dma_semaphore, #tpu.memory_space<semaphore_mem>>)
        } else {
        }
      } else {
      }
      %mul3A_471 = arith.constant 4 : i32
      %mul3A_472 = arith.muli %mul3A_471, %while3A_437 : i32
      %add3A_473 = arith.constant 2 : i32
      %add3A_474 = arith.addi %mul3A_472, %add3A_473 : i32
      %lt3A_475 = arith.cmpi slt, %add3A_474, %select_n3A : i32
      %convert_element_type3A_476 = arith.extui %lt3A_475 : i1 to i32
      %cond3A_477 = arith.constant 0 : i32
      %cond3A_478 = arith.cmpi ne, %convert_element_type3A_476, %cond3A_477 : i32
      scf.if %cond3A_478 {
        %mul3A_487 = arith.constant 128 : i32
        %mul3A_488 = arith.muli %add3A_474, %mul3A_487 : i32
        %add3A_489 = arith.addi %add3A_4, %mul3A_488 : i32
        %dma_wait3A_490 = arith.constant 0 : i32
        %dma_wait3A_491 = tpu.memref_slice %arg2[%add3A_489, %dma_wait3A_490] : memref<100000x128xf32, #tpu.memory_space<hbm>> -> memref<128x128xf32, #tpu.memory_space<hbm>>
        %dma_wait3A_492 = arith.constant 0 : i32
        %dma_wait3A_493 = tpu.memref_slice %arg2[%add3A_489, %dma_wait3A_492] : memref<100000x128xf32, #tpu.memory_space<hbm>> -> memref<128x128xf32, #tpu.memory_space<hbm>>
        tpu.wait_dma2 semaphore(%arg14 : memref<!tpu.dma_semaphore, #tpu.memory_space<semaphore_mem>>) src(%dma_wait3A_493 : memref<128x128xf32, #tpu.memory_space<hbm>>) dst(%arg9 : memref<128x128xf32, #tpu.memory_space<vmem>>)
        %dma_start3A_494 = arith.constant 0 : i32
        %dma_start3A_495 = tpu.memref_slice %arg11[%add3A_474, %dma_start3A_494] : memref<22x128xi32, #tpu.memory_space<vmem>> -> memref<1x128xi32, #tpu.memory_space<vmem>>
        %dma_start3A_496 = tpu.memref_squeeze %dma_start3A_495 : memref<1x128xi32, #tpu.memory_space<vmem>> -> memref<128xi32, #tpu.memory_space<vmem>>
        %dma_start3A_497 = arith.constant 0 : i32
        %dma_start3A_498 = arith.constant 0 : i32
        %dma_start3A_499 = tpu.memref_slice %arg5[%dma_start3A_497, %dma_start3A_498] : memref<1040x128xf32, #tpu.memory_space<vmem_shared>> -> memref<1040x128xf32, #tpu.memory_space<vmem_shared>>
        tpu.enqueue_indirect_dma source(%arg9 : memref<128x128xf32, #tpu.memory_space<vmem>>) target(%dma_start3A_499 : memref<1040x128xf32, #tpu.memory_space<vmem_shared>>) offsets(%dma_start3A_496 : memref<128xi32, #tpu.memory_space<vmem>>) semaphore(%arg18 : memref<!tpu.dma_semaphore, #tpu.memory_space<semaphore_mem>>) {add = true}
        %ge3A_500 = arith.constant 3 : i32
        %ge3A_501 = arith.cmpi sge, %add3A_474, %ge3A_500 : i32
        %convert_element_type3A_502 = arith.extui %ge3A_501 : i1 to i32
        %cond3A_503 = arith.constant 0 : i32
        %cond3A_504 = arith.cmpi ne, %convert_element_type3A_502, %cond3A_503 : i32
        scf.if %cond3A_504 {
          %dma_wait3A_511 = arith.constant 0 : i32
          %dma_wait3A_512 = arith.constant 0 : i32
          %dma_wait3A_513 = tpu.memref_slice %arg11[%dma_wait3A_511, %dma_wait3A_512] : memref<22x128xi32, #tpu.memory_space<vmem>> -> memref<1x128xi32, #tpu.memory_space<vmem>>
          %dma_wait3A_514 = tpu.memref_squeeze %dma_wait3A_513 : memref<1x128xi32, #tpu.memory_space<vmem>> -> memref<128xi32, #tpu.memory_space<vmem>>
          %dma_wait3A_515 = arith.constant 0 : i32
          %dma_wait3A_516 = arith.constant 0 : i32
          %dma_wait3A_517 = tpu.memref_slice %arg5[%dma_wait3A_515, %dma_wait3A_516] : memref<1040x128xf32, #tpu.memory_space<vmem_shared>> -> memref<1040x128xf32, #tpu.memory_space<vmem_shared>>
          tpu.wait_indirect_dma semaphore(%arg19 : memref<!tpu.dma_semaphore, #tpu.memory_space<semaphore_mem>>) src(%arg10 : memref<128x128xf32, #tpu.memory_space<vmem>>) dst(%dma_wait3A_517 : memref<1040x128xf32, #tpu.memory_space<vmem_shared>>)
        } else {
        }
        %add3A_505 = arith.constant 1 : i32
        %add3A_506 = arith.addi %add3A_474, %add3A_505 : i32
        %lt3A_507 = arith.cmpi slt, %add3A_506, %select_n3A : i32
        %convert_element_type3A_508 = arith.extui %lt3A_507 : i1 to i32
        %cond3A_509 = arith.constant 0 : i32
        %cond3A_510 = arith.cmpi ne, %convert_element_type3A_508, %cond3A_509 : i32
        scf.if %cond3A_510 {
          %add3A_511 = arith.constant 128 : i32
          %add3A_512 = arith.addi %add3A_489, %add3A_511 : i32
          %dma_start3A_513 = arith.constant 0 : i32
          %dma_start3A_514 = tpu.memref_slice %arg2[%add3A_512, %dma_start3A_513] : memref<100000x128xf32, #tpu.memory_space<hbm>> -> memref<128x128xf32, #tpu.memory_space<hbm>>
          %dma_start3A_515 = arith.constant 0 : i32
          %dma_start3A_516 = tpu.memref_slice %arg2[%add3A_512, %dma_start3A_515] : memref<100000x128xf32, #tpu.memory_space<hbm>> -> memref<128x128xf32, #tpu.memory_space<hbm>>
          tpu.enqueue_dma source(%dma_start3A_516 : memref<128x128xf32, #tpu.memory_space<hbm>>) target(%arg10 : memref<128x128xf32, #tpu.memory_space<vmem>>) target_semaphore(%arg15 : memref<!tpu.dma_semaphore, #tpu.memory_space<semaphore_mem>>)
        } else {
        }
      } else {
      }
      %mul3A_479 = arith.constant 4 : i32
      %mul3A_480 = arith.muli %mul3A_479, %while3A_437 : i32
      %add3A_481 = arith.constant 3 : i32
      %add3A_482 = arith.addi %mul3A_480, %add3A_481 : i32
      %lt3A_483 = arith.cmpi slt, %add3A_482, %select_n3A : i32
      %convert_element_type3A_484 = arith.extui %lt3A_483 : i1 to i32
      %cond3A_485 = arith.constant 0 : i32
      %cond3A_486 = arith.cmpi ne, %convert_element_type3A_484, %cond3A_485 : i32
      scf.if %cond3A_486 {
        %mul3A_487 = arith.constant 128 : i32
        %mul3A_488 = arith.muli %add3A_482, %mul3A_487 : i32
        %add3A_489 = arith.addi %add3A_4, %mul3A_488 : i32
        %dma_wait3A_490 = arith.constant 0 : i32
        %dma_wait3A_491 = tpu.memref_slice %arg2[%add3A_489, %dma_wait3A_490] : memref<100000x128xf32, #tpu.memory_space<hbm>> -> memref<128x128xf32, #tpu.memory_space<hbm>>
        %dma_wait3A_492 = arith.constant 0 : i32
        %dma_wait3A_493 = tpu.memref_slice %arg2[%add3A_489, %dma_wait3A_492] : memref<100000x128xf32, #tpu.memory_space<hbm>> -> memref<128x128xf32, #tpu.memory_space<hbm>>
        tpu.wait_dma2 semaphore(%arg15 : memref<!tpu.dma_semaphore, #tpu.memory_space<semaphore_mem>>) src(%dma_wait3A_493 : memref<128x128xf32, #tpu.memory_space<hbm>>) dst(%arg10 : memref<128x128xf32, #tpu.memory_space<vmem>>)
        %dma_start3A_494 = arith.constant 0 : i32
        %dma_start3A_495 = tpu.memref_slice %arg11[%add3A_482, %dma_start3A_494] : memref<22x128xi32, #tpu.memory_space<vmem>> -> memref<1x128xi32, #tpu.memory_space<vmem>>
        %dma_start3A_496 = tpu.memref_squeeze %dma_start3A_495 : memref<1x128xi32, #tpu.memory_space<vmem>> -> memref<128xi32, #tpu.memory_space<vmem>>
        %dma_start3A_497 = arith.constant 0 : i32
        %dma_start3A_498 = arith.constant 0 : i32
        %dma_start3A_499 = tpu.memref_slice %arg5[%dma_start3A_497, %dma_start3A_498] : memref<1040x128xf32, #tpu.memory_space<vmem_shared>> -> memref<1040x128xf32, #tpu.memory_space<vmem_shared>>
        tpu.enqueue_indirect_dma source(%arg10 : memref<128x128xf32, #tpu.memory_space<vmem>>) target(%dma_start3A_499 : memref<1040x128xf32, #tpu.memory_space<vmem_shared>>) offsets(%dma_start3A_496 : memref<128xi32, #tpu.memory_space<vmem>>) semaphore(%arg19 : memref<!tpu.dma_semaphore, #tpu.memory_space<semaphore_mem>>) {add = true}
        %ge3A_500 = arith.constant 3 : i32
        %ge3A_501 = arith.cmpi sge, %add3A_482, %ge3A_500 : i32
        %convert_element_type3A_502 = arith.extui %ge3A_501 : i1 to i32
        %cond3A_503 = arith.constant 0 : i32
        %cond3A_504 = arith.cmpi ne, %convert_element_type3A_502, %cond3A_503 : i32
        scf.if %cond3A_504 {
          %dma_wait3A_511 = arith.constant 0 : i32
          %dma_wait3A_512 = arith.constant 0 : i32
          %dma_wait3A_513 = tpu.memref_slice %arg11[%dma_wait3A_511, %dma_wait3A_512] : memref<22x128xi32, #tpu.memory_space<vmem>> -> memref<1x128xi32, #tpu.memory_space<vmem>>
          %dma_wait3A_514 = tpu.memref_squeeze %dma_wait3A_513 : memref<1x128xi32, #tpu.memory_space<vmem>> -> memref<128xi32, #tpu.memory_space<vmem>>
          %dma_wait3A_515 = arith.constant 0 : i32
          %dma_wait3A_516 = arith.constant 0 : i32
          %dma_wait3A_517 = tpu.memref_slice %arg5[%dma_wait3A_515, %dma_wait3A_516] : memref<1040x128xf32, #tpu.memory_space<vmem_shared>> -> memref<1040x128xf32, #tpu.memory_space<vmem_shared>>
          tpu.wait_indirect_dma semaphore(%arg16 : memref<!tpu.dma_semaphore, #tpu.memory_space<semaphore_mem>>) src(%arg7 : memref<128x128xf32, #tpu.memory_space<vmem>>) dst(%dma_wait3A_517 : memref<1040x128xf32, #tpu.memory_space<vmem_shared>>)
        } else {
        }
        %add3A_505 = arith.constant 1 : i32
        %add3A_506 = arith.addi %add3A_482, %add3A_505 : i32
        %lt3A_507 = arith.cmpi slt, %add3A_506, %select_n3A : i32
        %convert_element_type3A_508 = arith.extui %lt3A_507 : i1 to i32
        %cond3A_509 = arith.constant 0 : i32
        %cond3A_510 = arith.cmpi ne, %convert_element_type3A_508, %cond3A_509 : i32
        scf.if %cond3A_510 {
          %add3A_511 = arith.constant 128 : i32
          %add3A_512 = arith.addi %add3A_489, %add3A_511 : i32
          %dma_start3A_513 = arith.constant 0 : i32
          %dma_start3A_514 = tpu.memref_slice %arg2[%add3A_512, %dma_start3A_513] : memref<100000x128xf32, #tpu.memory_space<hbm>> -> memref<128x128xf32, #tpu.memory_space<hbm>>
          %dma_start3A_515 = arith.constant 0 : i32
          %dma_start3A_516 = tpu.memref_slice %arg2[%add3A_512, %dma_start3A_515] : memref<100000x128xf32, #tpu.memory_space<hbm>> -> memref<128x128xf32, #tpu.memory_space<hbm>>
          tpu.enqueue_dma source(%dma_start3A_516 : memref<128x128xf32, #tpu.memory_space<hbm>>) target(%arg7 : memref<128x128xf32, #tpu.memory_space<vmem>>) target_semaphore(%arg12 : memref<!tpu.dma_semaphore, #tpu.memory_space<semaphore_mem>>)
        } else {
        }
      } else {
      }
    }
    %while3A_174 = arith.constant 1 : i32
    scf.for %while3A_437 = %while3A_172 to %while3A_168 step %while3A_174  : i32 {
      %mul3A_438 = arith.constant 4 : i32
      %mul3A_439 = arith.muli %mul3A_438, %while3A_437 : i32
      %add3A_440 = arith.constant 0 : i32
      %add3A_441 = arith.addi %mul3A_439, %add3A_440 : i32
      %mul3A_442 = arith.constant 128 : i32
      %mul3A_443 = arith.muli %add3A_441, %mul3A_442 : i32
      %add3A_444 = arith.addi %add3A_4, %mul3A_443 : i32
      %dma_wait3A = arith.constant 0 : i32
      %dma_wait3A_445 = tpu.memref_slice %arg2[%add3A_444, %dma_wait3A] : memref<100000x128xf32, #tpu.memory_space<hbm>> -> memref<128x128xf32, #tpu.memory_space<hbm>>
      %dma_wait3A_446 = arith.constant 0 : i32
      %dma_wait3A_447 = tpu.memref_slice %arg2[%add3A_444, %dma_wait3A_446] : memref<100000x128xf32, #tpu.memory_space<hbm>> -> memref<128x128xf32, #tpu.memory_space<hbm>>
      tpu.wait_dma2 semaphore(%arg12 : memref<!tpu.dma_semaphore, #tpu.memory_space<semaphore_mem>>) src(%dma_wait3A_447 : memref<128x128xf32, #tpu.memory_space<hbm>>) dst(%arg7 : memref<128x128xf32, #tpu.memory_space<vmem>>)
      %dma_start3A = arith.constant 0 : i32
      %dma_start3A_448 = tpu.memref_slice %arg11[%add3A_441, %dma_start3A] : memref<22x128xi32, #tpu.memory_space<vmem>> -> memref<1x128xi32, #tpu.memory_space<vmem>>
      %dma_start3A_449 = tpu.memref_squeeze %dma_start3A_448 : memref<1x128xi32, #tpu.memory_space<vmem>> -> memref<128xi32, #tpu.memory_space<vmem>>
      %dma_start3A_450 = arith.constant 0 : i32
      %dma_start3A_451 = arith.constant 0 : i32
      %dma_start3A_452 = tpu.memref_slice %arg5[%dma_start3A_450, %dma_start3A_451] : memref<1040x128xf32, #tpu.memory_space<vmem_shared>> -> memref<1040x128xf32, #tpu.memory_space<vmem_shared>>
      tpu.enqueue_indirect_dma source(%arg7 : memref<128x128xf32, #tpu.memory_space<vmem>>) target(%dma_start3A_452 : memref<1040x128xf32, #tpu.memory_space<vmem_shared>>) offsets(%dma_start3A_449 : memref<128xi32, #tpu.memory_space<vmem>>) semaphore(%arg16 : memref<!tpu.dma_semaphore, #tpu.memory_space<semaphore_mem>>) {add = true}
      %ge3A = arith.constant 3 : i32
      %ge3A_453 = arith.cmpi sge, %add3A_441, %ge3A : i32
      %convert_element_type3A_454 = arith.extui %ge3A_453 : i1 to i32
      %cond3A_455 = arith.constant 0 : i32
      %cond3A_456 = arith.cmpi ne, %convert_element_type3A_454, %cond3A_455 : i32
      scf.if %cond3A_456 {
        %dma_wait3A_487 = arith.constant 0 : i32
        %dma_wait3A_488 = arith.constant 0 : i32
        %dma_wait3A_489 = tpu.memref_slice %arg11[%dma_wait3A_487, %dma_wait3A_488] : memref<22x128xi32, #tpu.memory_space<vmem>> -> memref<1x128xi32, #tpu.memory_space<vmem>>
        %dma_wait3A_490 = tpu.memref_squeeze %dma_wait3A_489 : memref<1x128xi32, #tpu.memory_space<vmem>> -> memref<128xi32, #tpu.memory_space<vmem>>
        %dma_wait3A_491 = arith.constant 0 : i32
        %dma_wait3A_492 = arith.constant 0 : i32
        %dma_wait3A_493 = tpu.memref_slice %arg5[%dma_wait3A_491, %dma_wait3A_492] : memref<1040x128xf32, #tpu.memory_space<vmem_shared>> -> memref<1040x128xf32, #tpu.memory_space<vmem_shared>>
        tpu.wait_indirect_dma semaphore(%arg17 : memref<!tpu.dma_semaphore, #tpu.memory_space<semaphore_mem>>) src(%arg8 : memref<128x128xf32, #tpu.memory_space<vmem>>) dst(%dma_wait3A_493 : memref<1040x128xf32, #tpu.memory_space<vmem_shared>>)
      } else {
      }
      %add3A_457 = arith.constant 1 : i32
      %add3A_458 = arith.addi %add3A_441, %add3A_457 : i32
      %lt3A_459 = arith.cmpi slt, %add3A_458, %select_n3A : i32
      %convert_element_type3A_460 = arith.extui %lt3A_459 : i1 to i32
      %cond3A_461 = arith.constant 0 : i32
      %cond3A_462 = arith.cmpi ne, %convert_element_type3A_460, %cond3A_461 : i32
      scf.if %cond3A_462 {
        %add3A_487 = arith.constant 128 : i32
        %add3A_488 = arith.addi %add3A_444, %add3A_487 : i32
        %dma_start3A_489 = arith.constant 0 : i32
        %dma_start3A_490 = tpu.memref_slice %arg2[%add3A_488, %dma_start3A_489] : memref<100000x128xf32, #tpu.memory_space<hbm>> -> memref<128x128xf32, #tpu.memory_space<hbm>>
        %dma_start3A_491 = arith.constant 0 : i32
        %dma_start3A_492 = tpu.memref_slice %arg2[%add3A_488, %dma_start3A_491] : memref<100000x128xf32, #tpu.memory_space<hbm>> -> memref<128x128xf32, #tpu.memory_space<hbm>>
        tpu.enqueue_dma source(%dma_start3A_492 : memref<128x128xf32, #tpu.memory_space<hbm>>) target(%arg8 : memref<128x128xf32, #tpu.memory_space<vmem>>) target_semaphore(%arg13 : memref<!tpu.dma_semaphore, #tpu.memory_space<semaphore_mem>>)
      } else {
      }
      %mul3A_463 = arith.constant 4 : i32
      %mul3A_464 = arith.muli %mul3A_463, %while3A_437 : i32
      %add3A_465 = arith.constant 1 : i32
      %add3A_466 = arith.addi %mul3A_464, %add3A_465 : i32
      %lt3A_467 = arith.cmpi slt, %add3A_466, %select_n3A : i32
      %convert_element_type3A_468 = arith.extui %lt3A_467 : i1 to i32
      %cond3A_469 = arith.constant 0 : i32
      %cond3A_470 = arith.cmpi ne, %convert_element_type3A_468, %cond3A_469 : i32
      scf.if %cond3A_470 {
        %mul3A_487 = arith.constant 128 : i32
        %mul3A_488 = arith.muli %add3A_466, %mul3A_487 : i32
        %add3A_489 = arith.addi %add3A_4, %mul3A_488 : i32
        %dma_wait3A_490 = arith.constant 0 : i32
        %dma_wait3A_491 = tpu.memref_slice %arg2[%add3A_489, %dma_wait3A_490] : memref<100000x128xf32, #tpu.memory_space<hbm>> -> memref<128x128xf32, #tpu.memory_space<hbm>>
        %dma_wait3A_492 = arith.constant 0 : i32
        %dma_wait3A_493 = tpu.memref_slice %arg2[%add3A_489, %dma_wait3A_492] : memref<100000x128xf32, #tpu.memory_space<hbm>> -> memref<128x128xf32, #tpu.memory_space<hbm>>
        tpu.wait_dma2 semaphore(%arg13 : memref<!tpu.dma_semaphore, #tpu.memory_space<semaphore_mem>>) src(%dma_wait3A_493 : memref<128x128xf32, #tpu.memory_space<hbm>>) dst(%arg8 : memref<128x128xf32, #tpu.memory_space<vmem>>)
        %dma_start3A_494 = arith.constant 0 : i32
        %dma_start3A_495 = tpu.memref_slice %arg11[%add3A_466, %dma_start3A_494] : memref<22x128xi32, #tpu.memory_space<vmem>> -> memref<1x128xi32, #tpu.memory_space<vmem>>
        %dma_start3A_496 = tpu.memref_squeeze %dma_start3A_495 : memref<1x128xi32, #tpu.memory_space<vmem>> -> memref<128xi32, #tpu.memory_space<vmem>>
        %dma_start3A_497 = arith.constant 0 : i32
        %dma_start3A_498 = arith.constant 0 : i32
        %dma_start3A_499 = tpu.memref_slice %arg5[%dma_start3A_497, %dma_start3A_498] : memref<1040x128xf32, #tpu.memory_space<vmem_shared>> -> memref<1040x128xf32, #tpu.memory_space<vmem_shared>>
        tpu.enqueue_indirect_dma source(%arg8 : memref<128x128xf32, #tpu.memory_space<vmem>>) target(%dma_start3A_499 : memref<1040x128xf32, #tpu.memory_space<vmem_shared>>) offsets(%dma_start3A_496 : memref<128xi32, #tpu.memory_space<vmem>>) semaphore(%arg17 : memref<!tpu.dma_semaphore, #tpu.memory_space<semaphore_mem>>) {add = true}
        %ge3A_500 = arith.constant 3 : i32
        %ge3A_501 = arith.cmpi sge, %add3A_466, %ge3A_500 : i32
        %convert_element_type3A_502 = arith.extui %ge3A_501 : i1 to i32
        %cond3A_503 = arith.constant 0 : i32
        %cond3A_504 = arith.cmpi ne, %convert_element_type3A_502, %cond3A_503 : i32
        scf.if %cond3A_504 {
          %dma_wait3A_511 = arith.constant 0 : i32
          %dma_wait3A_512 = arith.constant 0 : i32
          %dma_wait3A_513 = tpu.memref_slice %arg11[%dma_wait3A_511, %dma_wait3A_512] : memref<22x128xi32, #tpu.memory_space<vmem>> -> memref<1x128xi32, #tpu.memory_space<vmem>>
          %dma_wait3A_514 = tpu.memref_squeeze %dma_wait3A_513 : memref<1x128xi32, #tpu.memory_space<vmem>> -> memref<128xi32, #tpu.memory_space<vmem>>
          %dma_wait3A_515 = arith.constant 0 : i32
          %dma_wait3A_516 = arith.constant 0 : i32
          %dma_wait3A_517 = tpu.memref_slice %arg5[%dma_wait3A_515, %dma_wait3A_516] : memref<1040x128xf32, #tpu.memory_space<vmem_shared>> -> memref<1040x128xf32, #tpu.memory_space<vmem_shared>>
          tpu.wait_indirect_dma semaphore(%arg18 : memref<!tpu.dma_semaphore, #tpu.memory_space<semaphore_mem>>) src(%arg9 : memref<128x128xf32, #tpu.memory_space<vmem>>) dst(%dma_wait3A_517 : memref<1040x128xf32, #tpu.memory_space<vmem_shared>>)
        } else {
        }
        %add3A_505 = arith.constant 1 : i32
        %add3A_506 = arith.addi %add3A_466, %add3A_505 : i32
        %lt3A_507 = arith.cmpi slt, %add3A_506, %select_n3A : i32
        %convert_element_type3A_508 = arith.extui %lt3A_507 : i1 to i32
        %cond3A_509 = arith.constant 0 : i32
        %cond3A_510 = arith.cmpi ne, %convert_element_type3A_508, %cond3A_509 : i32
        scf.if %cond3A_510 {
          %add3A_511 = arith.constant 128 : i32
          %add3A_512 = arith.addi %add3A_489, %add3A_511 : i32
          %dma_start3A_513 = arith.constant 0 : i32
          %dma_start3A_514 = tpu.memref_slice %arg2[%add3A_512, %dma_start3A_513] : memref<100000x128xf32, #tpu.memory_space<hbm>> -> memref<128x128xf32, #tpu.memory_space<hbm>>
          %dma_start3A_515 = arith.constant 0 : i32
          %dma_start3A_516 = tpu.memref_slice %arg2[%add3A_512, %dma_start3A_515] : memref<100000x128xf32, #tpu.memory_space<hbm>> -> memref<128x128xf32, #tpu.memory_space<hbm>>
          tpu.enqueue_dma source(%dma_start3A_516 : memref<128x128xf32, #tpu.memory_space<hbm>>) target(%arg9 : memref<128x128xf32, #tpu.memory_space<vmem>>) target_semaphore(%arg14 : memref<!tpu.dma_semaphore, #tpu.memory_space<semaphore_mem>>)
        } else {
        }
      } else {
      }
      %mul3A_471 = arith.constant 4 : i32
      %mul3A_472 = arith.muli %mul3A_471, %while3A_437 : i32
      %add3A_473 = arith.constant 2 : i32
      %add3A_474 = arith.addi %mul3A_472, %add3A_473 : i32
      %lt3A_475 = arith.cmpi slt, %add3A_474, %select_n3A : i32
      %convert_element_type3A_476 = arith.extui %lt3A_475 : i1 to i32
      %cond3A_477 = arith.constant 0 : i32
      %cond3A_478 = arith.cmpi ne, %convert_element_type3A_476, %cond3A_477 : i32
      scf.if %cond3A_478 {
        %mul3A_487 = arith.constant 128 : i32
        %mul3A_488 = arith.muli %add3A_474, %mul3A_487 : i32
        %add3A_489 = arith.addi %add3A_4, %mul3A_488 : i32
        %dma_wait3A_490 = arith.constant 0 : i32
        %dma_wait3A_491 = tpu.memref_slice %arg2[%add3A_489, %dma_wait3A_490] : memref<100000x128xf32, #tpu.memory_space<hbm>> -> memref<128x128xf32, #tpu.memory_space<hbm>>
        %dma_wait3A_492 = arith.constant 0 : i32
        %dma_wait3A_493 = tpu.memref_slice %arg2[%add3A_489, %dma_wait3A_492] : memref<100000x128xf32, #tpu.memory_space<hbm>> -> memref<128x128xf32, #tpu.memory_space<hbm>>
        tpu.wait_dma2 semaphore(%arg14 : memref<!tpu.dma_semaphore, #tpu.memory_space<semaphore_mem>>) src(%dma_wait3A_493 : memref<128x128xf32, #tpu.memory_space<hbm>>) dst(%arg9 : memref<128x128xf32, #tpu.memory_space<vmem>>)
        %dma_start3A_494 = arith.constant 0 : i32
        %dma_start3A_495 = tpu.memref_slice %arg11[%add3A_474, %dma_start3A_494] : memref<22x128xi32, #tpu.memory_space<vmem>> -> memref<1x128xi32, #tpu.memory_space<vmem>>
        %dma_start3A_496 = tpu.memref_squeeze %dma_start3A_495 : memref<1x128xi32, #tpu.memory_space<vmem>> -> memref<128xi32, #tpu.memory_space<vmem>>
        %dma_start3A_497 = arith.constant 0 : i32
        %dma_start3A_498 = arith.constant 0 : i32
        %dma_start3A_499 = tpu.memref_slice %arg5[%dma_start3A_497, %dma_start3A_498] : memref<1040x128xf32, #tpu.memory_space<vmem_shared>> -> memref<1040x128xf32, #tpu.memory_space<vmem_shared>>
        tpu.enqueue_indirect_dma source(%arg9 : memref<128x128xf32, #tpu.memory_space<vmem>>) target(%dma_start3A_499 : memref<1040x128xf32, #tpu.memory_space<vmem_shared>>) offsets(%dma_start3A_496 : memref<128xi32, #tpu.memory_space<vmem>>) semaphore(%arg18 : memref<!tpu.dma_semaphore, #tpu.memory_space<semaphore_mem>>) {add = true}
        %ge3A_500 = arith.constant 3 : i32
        %ge3A_501 = arith.cmpi sge, %add3A_474, %ge3A_500 : i32
        %convert_element_type3A_502 = arith.extui %ge3A_501 : i1 to i32
        %cond3A_503 = arith.constant 0 : i32
        %cond3A_504 = arith.cmpi ne, %convert_element_type3A_502, %cond3A_503 : i32
        scf.if %cond3A_504 {
          %dma_wait3A_511 = arith.constant 0 : i32
          %dma_wait3A_512 = arith.constant 0 : i32
          %dma_wait3A_513 = tpu.memref_slice %arg11[%dma_wait3A_511, %dma_wait3A_512] : memref<22x128xi32, #tpu.memory_space<vmem>> -> memref<1x128xi32, #tpu.memory_space<vmem>>
          %dma_wait3A_514 = tpu.memref_squeeze %dma_wait3A_513 : memref<1x128xi32, #tpu.memory_space<vmem>> -> memref<128xi32, #tpu.memory_space<vmem>>
          %dma_wait3A_515 = arith.constant 0 : i32
          %dma_wait3A_516 = arith.constant 0 : i32
          %dma_wait3A_517 = tpu.memref_slice %arg5[%dma_wait3A_515, %dma_wait3A_516] : memref<1040x128xf32, #tpu.memory_space<vmem_shared>> -> memref<1040x128xf32, #tpu.memory_space<vmem_shared>>
          tpu.wait_indirect_dma semaphore(%arg19 : memref<!tpu.dma_semaphore, #tpu.memory_space<semaphore_mem>>) src(%arg10 : memref<128x128xf32, #tpu.memory_space<vmem>>) dst(%dma_wait3A_517 : memref<1040x128xf32, #tpu.memory_space<vmem_shared>>)
        } else {
        }
        %add3A_505 = arith.constant 1 : i32
        %add3A_506 = arith.addi %add3A_474, %add3A_505 : i32
        %lt3A_507 = arith.cmpi slt, %add3A_506, %select_n3A : i32
        %convert_element_type3A_508 = arith.extui %lt3A_507 : i1 to i32
        %cond3A_509 = arith.constant 0 : i32
        %cond3A_510 = arith.cmpi ne, %convert_element_type3A_508, %cond3A_509 : i32
        scf.if %cond3A_510 {
          %add3A_511 = arith.constant 128 : i32
          %add3A_512 = arith.addi %add3A_489, %add3A_511 : i32
          %dma_start3A_513 = arith.constant 0 : i32
          %dma_start3A_514 = tpu.memref_slice %arg2[%add3A_512, %dma_start3A_513] : memref<100000x128xf32, #tpu.memory_space<hbm>> -> memref<128x128xf32, #tpu.memory_space<hbm>>
          %dma_start3A_515 = arith.constant 0 : i32
          %dma_start3A_516 = tpu.memref_slice %arg2[%add3A_512, %dma_start3A_515] : memref<100000x128xf32, #tpu.memory_space<hbm>> -> memref<128x128xf32, #tpu.memory_space<hbm>>
          tpu.enqueue_dma source(%dma_start3A_516 : memref<128x128xf32, #tpu.memory_space<hbm>>) target(%arg10 : memref<128x128xf32, #tpu.memory_space<vmem>>) target_semaphore(%arg15 : memref<!tpu.dma_semaphore, #tpu.memory_space<semaphore_mem>>)
        } else {
        }
      } else {
      }
      %mul3A_479 = arith.constant 4 : i32
      %mul3A_480 = arith.muli %mul3A_479, %while3A_437 : i32
      %add3A_481 = arith.constant 3 : i32
      %add3A_482 = arith.addi %mul3A_480, %add3A_481 : i32
      %lt3A_483 = arith.cmpi slt, %add3A_482, %select_n3A : i32
      %convert_element_type3A_484 = arith.extui %lt3A_483 : i1 to i32
      %cond3A_485 = arith.constant 0 : i32
      %cond3A_486 = arith.cmpi ne, %convert_element_type3A_484, %cond3A_485 : i32
      scf.if %cond3A_486 {
        %mul3A_487 = arith.constant 128 : i32
        %mul3A_488 = arith.muli %add3A_482, %mul3A_487 : i32
        %add3A_489 = arith.addi %add3A_4, %mul3A_488 : i32
        %dma_wait3A_490 = arith.constant 0 : i32
        %dma_wait3A_491 = tpu.memref_slice %arg2[%add3A_489, %dma_wait3A_490] : memref<100000x128xf32, #tpu.memory_space<hbm>> -> memref<128x128xf32, #tpu.memory_space<hbm>>
        %dma_wait3A_492 = arith.constant 0 : i32
        %dma_wait3A_493 = tpu.memref_slice %arg2[%add3A_489, %dma_wait3A_492] : memref<100000x128xf32, #tpu.memory_space<hbm>> -> memref<128x128xf32, #tpu.memory_space<hbm>>
        tpu.wait_dma2 semaphore(%arg15 : memref<!tpu.dma_semaphore, #tpu.memory_space<semaphore_mem>>) src(%dma_wait3A_493 : memref<128x128xf32, #tpu.memory_space<hbm>>) dst(%arg10 : memref<128x128xf32, #tpu.memory_space<vmem>>)
        %dma_start3A_494 = arith.constant 0 : i32
        %dma_start3A_495 = tpu.memref_slice %arg11[%add3A_482, %dma_start3A_494] : memref<22x128xi32, #tpu.memory_space<vmem>> -> memref<1x128xi32, #tpu.memory_space<vmem>>
        %dma_start3A_496 = tpu.memref_squeeze %dma_start3A_495 : memref<1x128xi32, #tpu.memory_space<vmem>> -> memref<128xi32, #tpu.memory_space<vmem>>
        %dma_start3A_497 = arith.constant 0 : i32
        %dma_start3A_498 = arith.constant 0 : i32
        %dma_start3A_499 = tpu.memref_slice %arg5[%dma_start3A_497, %dma_start3A_498] : memref<1040x128xf32, #tpu.memory_space<vmem_shared>> -> memref<1040x128xf32, #tpu.memory_space<vmem_shared>>
        tpu.enqueue_indirect_dma source(%arg10 : memref<128x128xf32, #tpu.memory_space<vmem>>) target(%dma_start3A_499 : memref<1040x128xf32, #tpu.memory_space<vmem_shared>>) offsets(%dma_start3A_496 : memref<128xi32, #tpu.memory_space<vmem>>) semaphore(%arg19 : memref<!tpu.dma_semaphore, #tpu.memory_space<semaphore_mem>>) {add = true}
        %ge3A_500 = arith.constant 3 : i32
        %ge3A_501 = arith.cmpi sge, %add3A_482, %ge3A_500 : i32
        %convert_element_type3A_502 = arith.extui %ge3A_501 : i1 to i32
        %cond3A_503 = arith.constant 0 : i32
        %cond3A_504 = arith.cmpi ne, %convert_element_type3A_502, %cond3A_503 : i32
        scf.if %cond3A_504 {
          %dma_wait3A_511 = arith.constant 0 : i32
          %dma_wait3A_512 = arith.constant 0 : i32
          %dma_wait3A_513 = tpu.memref_slice %arg11[%dma_wait3A_511, %dma_wait3A_512] : memref<22x128xi32, #tpu.memory_space<vmem>> -> memref<1x128xi32, #tpu.memory_space<vmem>>
          %dma_wait3A_514 = tpu.memref_squeeze %dma_wait3A_513 : memref<1x128xi32, #tpu.memory_space<vmem>> -> memref<128xi32, #tpu.memory_space<vmem>>
          %dma_wait3A_515 = arith.constant 0 : i32
          %dma_wait3A_516 = arith.constant 0 : i32
          %dma_wait3A_517 = tpu.memref_slice %arg5[%dma_wait3A_515, %dma_wait3A_516] : memref<1040x128xf32, #tpu.memory_space<vmem_shared>> -> memref<1040x128xf32, #tpu.memory_space<vmem_shared>>
          tpu.wait_indirect_dma semaphore(%arg16 : memref<!tpu.dma_semaphore, #tpu.memory_space<semaphore_mem>>) src(%arg7 : memref<128x128xf32, #tpu.memory_space<vmem>>) dst(%dma_wait3A_517 : memref<1040x128xf32, #tpu.memory_space<vmem_shared>>)
        } else {
        }
        %add3A_505 = arith.constant 1 : i32
        %add3A_506 = arith.addi %add3A_482, %add3A_505 : i32
        %lt3A_507 = arith.cmpi slt, %add3A_506, %select_n3A : i32
        %convert_element_type3A_508 = arith.extui %lt3A_507 : i1 to i32
        %cond3A_509 = arith.constant 0 : i32
        %cond3A_510 = arith.cmpi ne, %convert_element_type3A_508, %cond3A_509 : i32
        scf.if %cond3A_510 {
          %add3A_511 = arith.constant 128 : i32
          %add3A_512 = arith.addi %add3A_489, %add3A_511 : i32
          %dma_start3A_513 = arith.constant 0 : i32
          %dma_start3A_514 = tpu.memref_slice %arg2[%add3A_512, %dma_start3A_513] : memref<100000x128xf32, #tpu.memory_space<hbm>> -> memref<128x128xf32, #tpu.memory_space<hbm>>
          %dma_start3A_515 = arith.constant 0 : i32
          %dma_start3A_516 = tpu.memref_slice %arg2[%add3A_512, %dma_start3A_515] : memref<100000x128xf32, #tpu.memory_space<hbm>> -> memref<128x128xf32, #tpu.memory_space<hbm>>
          tpu.enqueue_dma source(%dma_start3A_516 : memref<128x128xf32, #tpu.memory_space<hbm>>) target(%arg7 : memref<128x128xf32, #tpu.memory_space<vmem>>) target_semaphore(%arg12 : memref<!tpu.dma_semaphore, #tpu.memory_space<semaphore_mem>>)
        } else {
        }
      } else {
      }
    }
    %sub3A_175 = arith.constant 1 : i32
    %sub3A_176 = arith.subi %select_n3A, %sub3A_175 : i32
    %jit3A_177 = arith.constant 4 : i32
    %eq3A = arith.constant 0 : i32
    %eq3A_178 = arith.cmpi eq, %jit3A_177, %eq3A : i32
    %jit3A_179 = arith.constant 1 : i32
    %select_n3A_180 = arith.select %eq3A_178, %jit3A_179, %jit3A_177 : i32
    %rem3A_181 = arith.remsi %sub3A_176, %select_n3A_180 : i32
    %ne3A_182 = arith.constant 0 : i32
    %ne3A_183 = arith.cmpi ne, %rem3A_181, %ne3A_182 : i32
    %lt3A = arith.constant 0 : i32
    %lt3A_184 = arith.cmpi slt, %rem3A_181, %lt3A : i32
    %lt3A_185 = arith.constant 0 : i32
    %lt3A_186 = arith.cmpi slt, %select_n3A_180, %lt3A_185 : i32
    %ne3A_187 = arith.xori %lt3A_184, %lt3A_186 : i1
    %and3A_188 = arith.andi %ne3A_187, %ne3A_183 : i1
    %add3A_189 = arith.addi %rem3A_181, %select_n3A_180 : i32
    %select_n3A_190 = arith.select %and3A_188, %add3A_189, %rem3A_181 : i32
    %eq3A_191 = arith.constant 0 : i32
    %eq3A_192 = arith.cmpi eq, %select_n3A_190, %eq3A_191 : i32
    %sub3A_193 = arith.constant 2 : i32
    %sub3A_194 = arith.subi %select_n3A, %sub3A_193 : i32
    %jit3A_195 = arith.constant 4 : i32
    %eq3A_196 = arith.constant 0 : i32
    %eq3A_197 = arith.cmpi eq, %jit3A_195, %eq3A_196 : i32
    %jit3A_198 = arith.constant 1 : i32
    %select_n3A_199 = arith.select %eq3A_197, %jit3A_198, %jit3A_195 : i32
    %rem3A_200 = arith.remsi %sub3A_194, %select_n3A_199 : i32
    %ne3A_201 = arith.constant 0 : i32
    %ne3A_202 = arith.cmpi ne, %rem3A_200, %ne3A_201 : i32
    %lt3A_203 = arith.constant 0 : i32
    %lt3A_204 = arith.cmpi slt, %rem3A_200, %lt3A_203 : i32
    %lt3A_205 = arith.constant 0 : i32
    %lt3A_206 = arith.cmpi slt, %select_n3A_199, %lt3A_205 : i32
    %ne3A_207 = arith.xori %lt3A_204, %lt3A_206 : i1
    %and3A_208 = arith.andi %ne3A_207, %ne3A_202 : i1
    %add3A_209 = arith.addi %rem3A_200, %select_n3A_199 : i32
    %select_n3A_210 = arith.select %and3A_208, %add3A_209, %rem3A_200 : i32
    %eq3A_211 = arith.constant 0 : i32
    %eq3A_212 = arith.cmpi eq, %select_n3A_210, %eq3A_211 : i32
    %or3A = arith.ori %eq3A_192, %eq3A_212 : i1
    %sub3A_213 = arith.constant 3 : i32
    %sub3A_214 = arith.subi %select_n3A, %sub3A_213 : i32
    %jit3A_215 = arith.constant 4 : i32
    %eq3A_216 = arith.constant 0 : i32
    %eq3A_217 = arith.cmpi eq, %jit3A_215, %eq3A_216 : i32
    %jit3A_218 = arith.constant 1 : i32
    %select_n3A_219 = arith.select %eq3A_217, %jit3A_218, %jit3A_215 : i32
    %rem3A_220 = arith.remsi %sub3A_214, %select_n3A_219 : i32
    %ne3A_221 = arith.constant 0 : i32
    %ne3A_222 = arith.cmpi ne, %rem3A_220, %ne3A_221 : i32
    %lt3A_223 = arith.constant 0 : i32
    %lt3A_224 = arith.cmpi slt, %rem3A_220, %lt3A_223 : i32
    %lt3A_225 = arith.constant 0 : i32
    %lt3A_226 = arith.cmpi slt, %select_n3A_219, %lt3A_225 : i32
    %ne3A_227 = arith.xori %lt3A_224, %lt3A_226 : i1
    %and3A_228 = arith.andi %ne3A_227, %ne3A_222 : i1
    %add3A_229 = arith.addi %rem3A_220, %select_n3A_219 : i32
    %select_n3A_230 = arith.select %and3A_228, %add3A_229, %rem3A_220 : i32
    %eq3A_231 = arith.constant 0 : i32
    %eq3A_232 = arith.cmpi eq, %select_n3A_230, %eq3A_231 : i32
    %or3A_233 = arith.ori %or3A, %eq3A_232 : i1
    %convert_element_type3A_234 = arith.extui %or3A_233 : i1 to i32
    %cond3A_235 = arith.constant 0 : i32
    %cond3A_236 = arith.cmpi ne, %convert_element_type3A_234, %cond3A_235 : i32
    scf.if %cond3A_236 {
      %dma_wait3A = arith.constant 0 : i32
      %dma_wait3A_437 = arith.constant 0 : i32
      %dma_wait3A_438 = tpu.memref_slice %arg11[%dma_wait3A, %dma_wait3A_437] : memref<22x128xi32, #tpu.memory_space<vmem>> -> memref<1x128xi32, #tpu.memory_space<vmem>>
      %dma_wait3A_439 = tpu.memref_squeeze %dma_wait3A_438 : memref<1x128xi32, #tpu.memory_space<vmem>> -> memref<128xi32, #tpu.memory_space<vmem>>
      %dma_wait3A_440 = arith.constant 0 : i32
      %dma_wait3A_441 = arith.constant 0 : i32
      %dma_wait3A_442 = tpu.memref_slice %arg5[%dma_wait3A_440, %dma_wait3A_441] : memref<1040x128xf32, #tpu.memory_space<vmem_shared>> -> memref<1040x128xf32, #tpu.memory_space<vmem_shared>>
      tpu.wait_indirect_dma semaphore(%arg16 : memref<!tpu.dma_semaphore, #tpu.memory_space<semaphore_mem>>) src(%arg7 : memref<128x128xf32, #tpu.memory_space<vmem>>) dst(%dma_wait3A_442 : memref<1040x128xf32, #tpu.memory_space<vmem_shared>>)
    } else {
    }
    %sub3A_237 = arith.constant 1 : i32
    %sub3A_238 = arith.subi %select_n3A, %sub3A_237 : i32
    %jit3A_239 = arith.constant 4 : i32
    %eq3A_240 = arith.constant 0 : i32
    %eq3A_241 = arith.cmpi eq, %jit3A_239, %eq3A_240 : i32
    %jit3A_242 = arith.constant 1 : i32
    %select_n3A_243 = arith.select %eq3A_241, %jit3A_242, %jit3A_239 : i32
    %rem3A_244 = arith.remsi %sub3A_238, %select_n3A_243 : i32
    %ne3A_245 = arith.constant 0 : i32
    %ne3A_246 = arith.cmpi ne, %rem3A_244, %ne3A_245 : i32
    %lt3A_247 = arith.constant 0 : i32
    %lt3A_248 = arith.cmpi slt, %rem3A_244, %lt3A_247 : i32
    %lt3A_249 = arith.constant 0 : i32
    %lt3A_250 = arith.cmpi slt, %select_n3A_243, %lt3A_249 : i32
    %ne3A_251 = arith.xori %lt3A_248, %lt3A_250 : i1
    %and3A_252 = arith.andi %ne3A_251, %ne3A_246 : i1
    %add3A_253 = arith.addi %rem3A_244, %select_n3A_243 : i32
    %select_n3A_254 = arith.select %and3A_252, %add3A_253, %rem3A_244 : i32
    %eq3A_255 = arith.constant 1 : i32
    %eq3A_256 = arith.cmpi eq, %select_n3A_254, %eq3A_255 : i32
    %sub3A_257 = arith.constant 2 : i32
    %sub3A_258 = arith.subi %select_n3A, %sub3A_257 : i32
    %jit3A_259 = arith.constant 4 : i32
    %eq3A_260 = arith.constant 0 : i32
    %eq3A_261 = arith.cmpi eq, %jit3A_259, %eq3A_260 : i32
    %jit3A_262 = arith.constant 1 : i32
    %select_n3A_263 = arith.select %eq3A_261, %jit3A_262, %jit3A_259 : i32
    %rem3A_264 = arith.remsi %sub3A_258, %select_n3A_263 : i32
    %ne3A_265 = arith.constant 0 : i32
    %ne3A_266 = arith.cmpi ne, %rem3A_264, %ne3A_265 : i32
    %lt3A_267 = arith.constant 0 : i32
    %lt3A_268 = arith.cmpi slt, %rem3A_264, %lt3A_267 : i32
    %lt3A_269 = arith.constant 0 : i32
    %lt3A_270 = arith.cmpi slt, %select_n3A_263, %lt3A_269 : i32
    %ne3A_271 = arith.xori %lt3A_268, %lt3A_270 : i1
    %and3A_272 = arith.andi %ne3A_271, %ne3A_266 : i1
    %add3A_273 = arith.addi %rem3A_264, %select_n3A_263 : i32
    %select_n3A_274 = arith.select %and3A_272, %add3A_273, %rem3A_264 : i32
    %eq3A_275 = arith.constant 1 : i32
    %eq3A_276 = arith.cmpi eq, %select_n3A_274, %eq3A_275 : i32
    %or3A_277 = arith.ori %eq3A_256, %eq3A_276 : i1
    %sub3A_278 = arith.constant 3 : i32
    %sub3A_279 = arith.subi %select_n3A, %sub3A_278 : i32
    %jit3A_280 = arith.constant 4 : i32
    %eq3A_281 = arith.constant 0 : i32
    %eq3A_282 = arith.cmpi eq, %jit3A_280, %eq3A_281 : i32
    %jit3A_283 = arith.constant 1 : i32
    %select_n3A_284 = arith.select %eq3A_282, %jit3A_283, %jit3A_280 : i32
    %rem3A_285 = arith.remsi %sub3A_279, %select_n3A_284 : i32
    %ne3A_286 = arith.constant 0 : i32
    %ne3A_287 = arith.cmpi ne, %rem3A_285, %ne3A_286 : i32
    %lt3A_288 = arith.constant 0 : i32
    %lt3A_289 = arith.cmpi slt, %rem3A_285, %lt3A_288 : i32
    %lt3A_290 = arith.constant 0 : i32
    %lt3A_291 = arith.cmpi slt, %select_n3A_284, %lt3A_290 : i32
    %ne3A_292 = arith.xori %lt3A_289, %lt3A_291 : i1
    %and3A_293 = arith.andi %ne3A_292, %ne3A_287 : i1
    %add3A_294 = arith.addi %rem3A_285, %select_n3A_284 : i32
    %select_n3A_295 = arith.select %and3A_293, %add3A_294, %rem3A_285 : i32
    %eq3A_296 = arith.constant 1 : i32
    %eq3A_297 = arith.cmpi eq, %select_n3A_295, %eq3A_296 : i32
    %or3A_298 = arith.ori %or3A_277, %eq3A_297 : i1
    %convert_element_type3A_299 = arith.extui %or3A_298 : i1 to i32
    %cond3A_300 = arith.constant 0 : i32
    %cond3A_301 = arith.cmpi ne, %convert_element_type3A_299, %cond3A_300 : i32
    scf.if %cond3A_301 {
      %dma_wait3A = arith.constant 0 : i32
      %dma_wait3A_437 = arith.constant 0 : i32
      %dma_wait3A_438 = tpu.memref_slice %arg11[%dma_wait3A, %dma_wait3A_437] : memref<22x128xi32, #tpu.memory_space<vmem>> -> memref<1x128xi32, #tpu.memory_space<vmem>>
      %dma_wait3A_439 = tpu.memref_squeeze %dma_wait3A_438 : memref<1x128xi32, #tpu.memory_space<vmem>> -> memref<128xi32, #tpu.memory_space<vmem>>
      %dma_wait3A_440 = arith.constant 0 : i32
      %dma_wait3A_441 = arith.constant 0 : i32
      %dma_wait3A_442 = tpu.memref_slice %arg5[%dma_wait3A_440, %dma_wait3A_441] : memref<1040x128xf32, #tpu.memory_space<vmem_shared>> -> memref<1040x128xf32, #tpu.memory_space<vmem_shared>>
      tpu.wait_indirect_dma semaphore(%arg17 : memref<!tpu.dma_semaphore, #tpu.memory_space<semaphore_mem>>) src(%arg8 : memref<128x128xf32, #tpu.memory_space<vmem>>) dst(%dma_wait3A_442 : memref<1040x128xf32, #tpu.memory_space<vmem_shared>>)
    } else {
    }
    %sub3A_302 = arith.constant 1 : i32
    %sub3A_303 = arith.subi %select_n3A, %sub3A_302 : i32
    %jit3A_304 = arith.constant 4 : i32
    %eq3A_305 = arith.constant 0 : i32
    %eq3A_306 = arith.cmpi eq, %jit3A_304, %eq3A_305 : i32
    %jit3A_307 = arith.constant 1 : i32
    %select_n3A_308 = arith.select %eq3A_306, %jit3A_307, %jit3A_304 : i32
    %rem3A_309 = arith.remsi %sub3A_303, %select_n3A_308 : i32
    %ne3A_310 = arith.constant 0 : i32
    %ne3A_311 = arith.cmpi ne, %rem3A_309, %ne3A_310 : i32
    %lt3A_312 = arith.constant 0 : i32
    %lt3A_313 = arith.cmpi slt, %rem3A_309, %lt3A_312 : i32
    %lt3A_314 = arith.constant 0 : i32
    %lt3A_315 = arith.cmpi slt, %select_n3A_308, %lt3A_314 : i32
    %ne3A_316 = arith.xori %lt3A_313, %lt3A_315 : i1
    %and3A_317 = arith.andi %ne3A_316, %ne3A_311 : i1
    %add3A_318 = arith.addi %rem3A_309, %select_n3A_308 : i32
    %select_n3A_319 = arith.select %and3A_317, %add3A_318, %rem3A_309 : i32
    %eq3A_320 = arith.constant 2 : i32
    %eq3A_321 = arith.cmpi eq, %select_n3A_319, %eq3A_320 : i32
    %sub3A_322 = arith.constant 2 : i32
    %sub3A_323 = arith.subi %select_n3A, %sub3A_322 : i32
    %jit3A_324 = arith.constant 4 : i32
    %eq3A_325 = arith.constant 0 : i32
    %eq3A_326 = arith.cmpi eq, %jit3A_324, %eq3A_325 : i32
    %jit3A_327 = arith.constant 1 : i32
    %select_n3A_328 = arith.select %eq3A_326, %jit3A_327, %jit3A_324 : i32
    %rem3A_329 = arith.remsi %sub3A_323, %select_n3A_328 : i32
    %ne3A_330 = arith.constant 0 : i32
    %ne3A_331 = arith.cmpi ne, %rem3A_329, %ne3A_330 : i32
    %lt3A_332 = arith.constant 0 : i32
    %lt3A_333 = arith.cmpi slt, %rem3A_329, %lt3A_332 : i32
    %lt3A_334 = arith.constant 0 : i32
    %lt3A_335 = arith.cmpi slt, %select_n3A_328, %lt3A_334 : i32
    %ne3A_336 = arith.xori %lt3A_333, %lt3A_335 : i1
    %and3A_337 = arith.andi %ne3A_336, %ne3A_331 : i1
    %add3A_338 = arith.addi %rem3A_329, %select_n3A_328 : i32
    %select_n3A_339 = arith.select %and3A_337, %add3A_338, %rem3A_329 : i32
    %eq3A_340 = arith.constant 2 : i32
    %eq3A_341 = arith.cmpi eq, %select_n3A_339, %eq3A_340 : i32
    %or3A_342 = arith.ori %eq3A_321, %eq3A_341 : i1
    %sub3A_343 = arith.constant 3 : i32
    %sub3A_344 = arith.subi %select_n3A, %sub3A_343 : i32
    %jit3A_345 = arith.constant 4 : i32
    %eq3A_346 = arith.constant 0 : i32
    %eq3A_347 = arith.cmpi eq, %jit3A_345, %eq3A_346 : i32
    %jit3A_348 = arith.constant 1 : i32
    %select_n3A_349 = arith.select %eq3A_347, %jit3A_348, %jit3A_345 : i32
    %rem3A_350 = arith.remsi %sub3A_344, %select_n3A_349 : i32
    %ne3A_351 = arith.constant 0 : i32
    %ne3A_352 = arith.cmpi ne, %rem3A_350, %ne3A_351 : i32
    %lt3A_353 = arith.constant 0 : i32
    %lt3A_354 = arith.cmpi slt, %rem3A_350, %lt3A_353 : i32
    %lt3A_355 = arith.constant 0 : i32
    %lt3A_356 = arith.cmpi slt, %select_n3A_349, %lt3A_355 : i32
    %ne3A_357 = arith.xori %lt3A_354, %lt3A_356 : i1
    %and3A_358 = arith.andi %ne3A_357, %ne3A_352 : i1
    %add3A_359 = arith.addi %rem3A_350, %select_n3A_349 : i32
    %select_n3A_360 = arith.select %and3A_358, %add3A_359, %rem3A_350 : i32
    %eq3A_361 = arith.constant 2 : i32
    %eq3A_362 = arith.cmpi eq, %select_n3A_360, %eq3A_361 : i32
    %or3A_363 = arith.ori %or3A_342, %eq3A_362 : i1
    %convert_element_type3A_364 = arith.extui %or3A_363 : i1 to i32
    %cond3A_365 = arith.constant 0 : i32
    %cond3A_366 = arith.cmpi ne, %convert_element_type3A_364, %cond3A_365 : i32
    scf.if %cond3A_366 {
      %dma_wait3A = arith.constant 0 : i32
      %dma_wait3A_437 = arith.constant 0 : i32
      %dma_wait3A_438 = tpu.memref_slice %arg11[%dma_wait3A, %dma_wait3A_437] : memref<22x128xi32, #tpu.memory_space<vmem>> -> memref<1x128xi32, #tpu.memory_space<vmem>>
      %dma_wait3A_439 = tpu.memref_squeeze %dma_wait3A_438 : memref<1x128xi32, #tpu.memory_space<vmem>> -> memref<128xi32, #tpu.memory_space<vmem>>
      %dma_wait3A_440 = arith.constant 0 : i32
      %dma_wait3A_441 = arith.constant 0 : i32
      %dma_wait3A_442 = tpu.memref_slice %arg5[%dma_wait3A_440, %dma_wait3A_441] : memref<1040x128xf32, #tpu.memory_space<vmem_shared>> -> memref<1040x128xf32, #tpu.memory_space<vmem_shared>>
      tpu.wait_indirect_dma semaphore(%arg18 : memref<!tpu.dma_semaphore, #tpu.memory_space<semaphore_mem>>) src(%arg9 : memref<128x128xf32, #tpu.memory_space<vmem>>) dst(%dma_wait3A_442 : memref<1040x128xf32, #tpu.memory_space<vmem_shared>>)
    } else {
    }
    %sub3A_367 = arith.constant 1 : i32
    %sub3A_368 = arith.subi %select_n3A, %sub3A_367 : i32
    %jit3A_369 = arith.constant 4 : i32
    %eq3A_370 = arith.constant 0 : i32
    %eq3A_371 = arith.cmpi eq, %jit3A_369, %eq3A_370 : i32
    %jit3A_372 = arith.constant 1 : i32
    %select_n3A_373 = arith.select %eq3A_371, %jit3A_372, %jit3A_369 : i32
    %rem3A_374 = arith.remsi %sub3A_368, %select_n3A_373 : i32
    %ne3A_375 = arith.constant 0 : i32
    %ne3A_376 = arith.cmpi ne, %rem3A_374, %ne3A_375 : i32
    %lt3A_377 = arith.constant 0 : i32
    %lt3A_378 = arith.cmpi slt, %rem3A_374, %lt3A_377 : i32
    %lt3A_379 = arith.constant 0 : i32
    %lt3A_380 = arith.cmpi slt, %select_n3A_373, %lt3A_379 : i32
    %ne3A_381 = arith.xori %lt3A_378, %lt3A_380 : i1
    %and3A_382 = arith.andi %ne3A_381, %ne3A_376 : i1
    %add3A_383 = arith.addi %rem3A_374, %select_n3A_373 : i32
    %select_n3A_384 = arith.select %and3A_382, %add3A_383, %rem3A_374 : i32
    %eq3A_385 = arith.constant 3 : i32
    %eq3A_386 = arith.cmpi eq, %select_n3A_384, %eq3A_385 : i32
    %sub3A_387 = arith.constant 2 : i32
    %sub3A_388 = arith.subi %select_n3A, %sub3A_387 : i32
    %jit3A_389 = arith.constant 4 : i32
    %eq3A_390 = arith.constant 0 : i32
    %eq3A_391 = arith.cmpi eq, %jit3A_389, %eq3A_390 : i32
    %jit3A_392 = arith.constant 1 : i32
    %select_n3A_393 = arith.select %eq3A_391, %jit3A_392, %jit3A_389 : i32
    %rem3A_394 = arith.remsi %sub3A_388, %select_n3A_393 : i32
    %ne3A_395 = arith.constant 0 : i32
    %ne3A_396 = arith.cmpi ne, %rem3A_394, %ne3A_395 : i32
    %lt3A_397 = arith.constant 0 : i32
    %lt3A_398 = arith.cmpi slt, %rem3A_394, %lt3A_397 : i32
    %lt3A_399 = arith.constant 0 : i32
    %lt3A_400 = arith.cmpi slt, %select_n3A_393, %lt3A_399 : i32
    %ne3A_401 = arith.xori %lt3A_398, %lt3A_400 : i1
    %and3A_402 = arith.andi %ne3A_401, %ne3A_396 : i1
    %add3A_403 = arith.addi %rem3A_394, %select_n3A_393 : i32
    %select_n3A_404 = arith.select %and3A_402, %add3A_403, %rem3A_394 : i32
    %eq3A_405 = arith.constant 3 : i32
    %eq3A_406 = arith.cmpi eq, %select_n3A_404, %eq3A_405 : i32
    %or3A_407 = arith.ori %eq3A_386, %eq3A_406 : i1
    %sub3A_408 = arith.constant 3 : i32
    %sub3A_409 = arith.subi %select_n3A, %sub3A_408 : i32
    %jit3A_410 = arith.constant 4 : i32
    %eq3A_411 = arith.constant 0 : i32
    %eq3A_412 = arith.cmpi eq, %jit3A_410, %eq3A_411 : i32
    %jit3A_413 = arith.constant 1 : i32
    %select_n3A_414 = arith.select %eq3A_412, %jit3A_413, %jit3A_410 : i32
    %rem3A_415 = arith.remsi %sub3A_409, %select_n3A_414 : i32
    %ne3A_416 = arith.constant 0 : i32
    %ne3A_417 = arith.cmpi ne, %rem3A_415, %ne3A_416 : i32
    %lt3A_418 = arith.constant 0 : i32
    %lt3A_419 = arith.cmpi slt, %rem3A_415, %lt3A_418 : i32
    %lt3A_420 = arith.constant 0 : i32
    %lt3A_421 = arith.cmpi slt, %select_n3A_414, %lt3A_420 : i32
    %ne3A_422 = arith.xori %lt3A_419, %lt3A_421 : i1
    %and3A_423 = arith.andi %ne3A_422, %ne3A_417 : i1
    %add3A_424 = arith.addi %rem3A_415, %select_n3A_414 : i32
    %select_n3A_425 = arith.select %and3A_423, %add3A_424, %rem3A_415 : i32
    %eq3A_426 = arith.constant 3 : i32
    %eq3A_427 = arith.cmpi eq, %select_n3A_425, %eq3A_426 : i32
    %or3A_428 = arith.ori %or3A_407, %eq3A_427 : i1
    %convert_element_type3A_429 = arith.extui %or3A_428 : i1 to i32
    %cond3A_430 = arith.constant 0 : i32
    %cond3A_431 = arith.cmpi ne, %convert_element_type3A_429, %cond3A_430 : i32
    scf.if %cond3A_431 {
      %dma_wait3A = arith.constant 0 : i32
      %dma_wait3A_437 = arith.constant 0 : i32
      %dma_wait3A_438 = tpu.memref_slice %arg11[%dma_wait3A, %dma_wait3A_437] : memref<22x128xi32, #tpu.memory_space<vmem>> -> memref<1x128xi32, #tpu.memory_space<vmem>>
      %dma_wait3A_439 = tpu.memref_squeeze %dma_wait3A_438 : memref<1x128xi32, #tpu.memory_space<vmem>> -> memref<128xi32, #tpu.memory_space<vmem>>
      %dma_wait3A_440 = arith.constant 0 : i32
      %dma_wait3A_441 = arith.constant 0 : i32
      %dma_wait3A_442 = tpu.memref_slice %arg5[%dma_wait3A_440, %dma_wait3A_441] : memref<1040x128xf32, #tpu.memory_space<vmem_shared>> -> memref<1040x128xf32, #tpu.memory_space<vmem_shared>>
      tpu.wait_indirect_dma semaphore(%arg19 : memref<!tpu.dma_semaphore, #tpu.memory_space<semaphore_mem>>) src(%arg10 : memref<128x128xf32, #tpu.memory_space<vmem>>) dst(%dma_wait3A_442 : memref<1040x128xf32, #tpu.memory_space<vmem_shared>>)
    } else {
    }
    %barrier3A_432 = arith.constant 0 : index
    tpu.barrier barrier_id(%barrier3A_432)
    %mul3A_433 = arith.constant 64 : i32
    %mul3A_434 = arith.muli %arg1, %mul3A_433 : i32
    %mul3A_435 = arith.constant 64 : i32
    %mul3A_436 = arith.muli %arg1, %mul3A_435 : i32
    "tpu.region"() ({
      %run_scoped3A = tpu.sem_alloc : memref<!tpu.dma_semaphore, #tpu.memory_space<semaphore_mem>>
      %dma_start3A = arith.constant 0 : i32
      %dma_start3A_437 = tpu.memref_slice %arg4[%arg0, %mul3A_436, %dma_start3A] : memref<2x1024x128xf32, #tpu.memory_space<hbm>> -> memref<1x64x128xf32, #tpu.memory_space<hbm>>
      %dma_start3A_438 = tpu.memref_squeeze %dma_start3A_437 : memref<1x64x128xf32, #tpu.memory_space<hbm>> -> memref<64x128xf32, #tpu.memory_space<hbm>>
      %dma_start3A_439 = arith.constant 0 : i32
      %dma_start3A_440 = tpu.memref_slice %arg5[%mul3A_434, %dma_start3A_439] : memref<1040x128xf32, #tpu.memory_space<vmem_shared>> -> memref<64x128xf32, #tpu.memory_space<vmem_shared>>
      tpu.enqueue_dma source(%dma_start3A_440 : memref<64x128xf32, #tpu.memory_space<vmem_shared>>) target(%dma_start3A_438 : memref<64x128xf32, #tpu.memory_space<hbm>>) target_semaphore(%run_scoped3A : memref<!tpu.dma_semaphore, #tpu.memory_space<semaphore_mem>>)
      %dma_wait3A = arith.constant 0 : i32
      %dma_wait3A_441 = tpu.memref_slice %arg4[%arg0, %mul3A_436, %dma_wait3A] : memref<2x1024x128xf32, #tpu.memory_space<hbm>> -> memref<1x64x128xf32, #tpu.memory_space<hbm>>
      %dma_wait3A_442 = tpu.memref_squeeze %dma_wait3A_441 : memref<1x64x128xf32, #tpu.memory_space<hbm>> -> memref<64x128xf32, #tpu.memory_space<hbm>>
      %dma_wait3A_443 = arith.constant 0 : i32
      %dma_wait3A_444 = tpu.memref_slice %arg5[%mul3A_434, %dma_wait3A_443] : memref<1040x128xf32, #tpu.memory_space<vmem_shared>> -> memref<64x128xf32, #tpu.memory_space<vmem_shared>>
      tpu.wait_dma2 semaphore(%run_scoped3A : memref<!tpu.dma_semaphore, #tpu.memory_space<semaphore_mem>>) src(%dma_wait3A_444 : memref<64x128xf32, #tpu.memory_space<vmem_shared>>) dst(%dma_wait3A_442 : memref<64x128xf32, #tpu.memory_space<hbm>>)
      tpu.yield
    }) : () -> ()
    return
  }
}

</mosaic_0001>

<sc_bundles>
// kernel: _sc_segsum.3.cloned.1.call-start
scs
__scs_entry_jumppad:
0x0: {  	(pc) =	sbr.rel $0x88, $3  }
0x1: {  	(tag) =	ssettag $0x0;
	lr =	simm.s32 $0x1  }
0x2: {  	[smem:$0x3F9F] =	sst lr;
	_ =	strace $0xD0000000  }
0x3: {  	_ = 	snop  }
0x4: {  	_ = 	snop  }
0x5: {  	_ = 	snop  }
0x6: {  	_ = 	snop  }
0x7: {  	_ = 	snop  }
__scs_overlays_trampoline_lowered:
0x8: {  	[smem:$0x3FAE] =	sst s0  }
0x9: {  	[smem:$0x3FAF] =	sst s1  }
0xa: {  	[smem:$0x3FB0] =	sst s2  }
0xb: {  	[smem:$0x3FB1] =	sst s3  }
0xc: {  	[smem:$0x3FB2] =	sst s4  }
0xd: {  	[smem:$0x3FB3] =	sst s5  }
0xe: {  	[smem:$0x3FB4] =	sst s6  }
0xf: {  	[smem:$0x3FB5] =	sst s7  }
0x10: {  	[smem:$0x3FB6] =	sst s8  }
0x11: {  	[smem:$0x3FB7] =	sst s9;
	s0 =	simm.s32 @!p0 $0x0  }
0x12: {  	s1 =	sld [smem:$0x3F9D];
	s0 =	simm.s32 @p0 $0x1  }
0x13: {  	[smem:$0x3FB8] =	sst s0;
	s0 =	simm.s32 @!p1 $0x0  }
0x14: {  	s2 =	sld [smem:$0x3F9C];
	s0 =	simm.s32 @p1 $0x1  }
0x15: {  	[smem:$0x3FB9] =	sst s0;
	s0 =	simm.s32 @!p2 $0x0  }
0x16: {  	s3 =	sld [smem:$0x3FDB];
	s0 =	simm.s32 @p2 $0x1  }
0x17: {  	s4 =	simm.s32 $0x1BF5;
	[smem:$0x3FBB] =	sst s0  }
0x18: {  	s0 =	sld [smem:$0x3F9E];
	_ =	swait.ge [sflag:s4], $0x0  }
0x19: {  	s7 =	sld [smem:$0x3F9F]  }
0x1a: {  	s8 =	sadd.s32 $0xFFFFE003, lr  }
0x1b: {  	s9 =	sadd.s32 $0xFFFFFEF7, lr;
	s5 =	simm.s32 $0xFFFFFFFF;
	p2 =	slt.u32 s8, $0xFFFFF086  }
0x1c: {  	p1 =	slt.u32 s9, $0xF7A;
	s5 =	simm.s32 @!p2 $0x0  }
0x1d: {  	s5 =	simm.s32 @p1 $0x1;
	p0 =	seq.s32 s7, s2  }
0x1e: {  	s7 =	smul.u32 @!p0 $0xF7A, s2;
	p2 =	seq.s32 @!p0 s5, $0x0  }
0x1f: {  	s9 =	smul.u32 $0xF7A, s1;
	s8 =	simm.s32 @!p0 $0x1BF5;
	p2 =	por !p2, p0  }
0x20: {  	[sflag:s8] =	ssyncset.s32 @!p0 $0xFFFFF086;
	s6 =	sadd.s32 @!p0 s3, s7;
	s7 =	simm.s32 @!p0 $0x108  }
0x21: {  	s3 =	sadd.s32 s3, s9;
	s6 =	sadd.s32 @!p0 $0x88, s6;
	s7 =	simm.s32 @p2 $0x1082  }
0x22: {  	[simem:s7], [sflag:s8] =	dma.local @!p0 [hbm:s6], $0xF7A  }
0x23: {  	s9 =	sor.u32 $0xD0000000, s2;
	s6 =	simm.s32 $0x108;
	_ =	swait.ge @!p0 [sflag:s8], $0x0  }
0x24: {  	s3 =	sadd.s32 $0x88, s3;
	s6 =	simm.s32 @!p1 $0x1082;
	[sflag:s4] =	ssyncset.s32 $0xFFFFF086  }
0x25: {  	[simem:s6], [sflag:s4] =	dma.local [hbm:s3], $0xF7A  }
0x26: {  	[smem:$0x3F9F] =	sst s1;
	(tag) =	ssettag s2;
	_ =	strace s9  }
0x27: {  	s1 =	sld [smem:$0x3FAF]  }
0x28: {  	s2 =	sld [smem:$0x3FB0]  }
0x29: {  	s4 =	sld [smem:$0x3FB2]  }
0x2a: {  	p0 =	seq.s32 s5, $0x0;
	s5 =	sld [smem:$0x3FB3]  }
0x2b: {  	s6 =	sld [smem:$0x3FB4]  }
0x2c: {  	s7 =	sld [smem:$0x3FB5]  }
0x2d: {  	s3 =	simm.s32 $0x108;
	s8 =	sld [smem:$0x3FB6]  }
0x2e: {  	s3 =	simm.s32 @!p0 $0x1082;
	s9 =	sld [smem:$0x3FB7]  }
0x2f: {  	lr =	sadd.s32 s0, s3;
	s0 =	sld [smem:$0x3FAE]  }
0x30: {  	s3 =	sld [smem:$0x3FB1]  }
0x31: {  	[smem:$0x3FBA] =	sst s10  }
0x32: {  	s10 =	sld [smem:$0x3FB8];
	_ =	sdelay $0x3  }
0x33: {  	p0 =	seq.s32 s10, $0x1;
	s10 =	sld [smem:$0x3FBA];
	_ =	sdelay $0x3  }
0x34: {  	[smem:$0x3FBA] =	sst s10  }
0x35: {  	s10 =	sld [smem:$0x3FB9];
	_ =	sdelay $0x3  }
0x36: {  	p1 =	seq.s32 s10, $0x1;
	s10 =	sld [smem:$0x3FBA];
	_ =	sdelay $0x3  }
0x37: {  	[smem:$0x3FBA] =	sst s10  }
0x38: {  	s10 =	sld [smem:$0x3FBB]  }
0x39: {  	_ = 	snop;
	(pc) =	sbr.ind lr, $3  }
0x3a: {  	_ = 	snop  }
0x3b: {  	_ = 	snop  }
0x3c: {  	p2 =	seq.s32 s10, $0x1;
	s10 =	sld [smem:$0x3FBA]  }
0x3d: {  	_ =	shalt  }
0x3e: {  	_ =	shalt  }
0x3f: {  	_ =	shalt  }
0x40: {  	_ =	shalt  }
0x41: {  	_ =	shalt  }
0x42: {  	_ =	shalt  }
0x43: {  	_ =	shalt  }
0x44: {  	_ =	shalt  }
0x45: {  	_ =	shalt  }
0x46: {  	_ =	shalt  }
0x47: {  	_ =	shalt  }
0x48: {  	_ =	shalt  }
0x49: {  	_ =	shalt  }
0x4a: {  	_ =	shalt  }
0x4b: {  	_ =	shalt  }
0x4c: {  	_ =	shalt  }
0x4d: {  	_ =	shalt  }
0x4e: {  	_ =	shalt  }
0x4f: {  	_ =	shalt  }
0x50: {  	_ =	shalt  }
0x51: {  	_ =	shalt  }
0x52: {  	_ =	shalt  }
0x53: {  	_ =	shalt  }
0x54: {  	_ =	shalt  }
0x55: {  	_ =	shalt  }
0x56: {  	_ =	shalt  }
0x57: {  	_ =	shalt  }
0x58: {  	_ =	shalt  }
0x59: {  	_ =	shalt  }
0x5a: {  	_ =	shalt  }
0x5b: {  	_ =	shalt  }
0x5c: {  	_ =	shalt  }
0x5d: {  	_ =	shalt  }
0x5e: {  	_ =	shalt  }
0x5f: {  	_ =	shalt  }
0x60: {  	_ =	shalt  }
0x61: {  	_ =	shalt  }
0x62: {  	_ =	shalt  }
0x63: {  	_ =	shalt  }
0x64: {  	_ =	shalt  }
0x65: {  	_ =	shalt  }
0x66: {  	_ =	shalt  }
0x67: {  	_ =	shalt  }
0x68: {  	_ =	shalt  }
0x69: {  	_ =	shalt  }
0x6a: {  	_ =	shalt  }
0x6b: {  	_ =	shalt  }
0x6c: {  	_ =	shalt  }
0x6d: {  	_ =	shalt  }
0x6e: {  	_ =	shalt  }
0x6f: {  	_ =	shalt  }
0x70: {  	_ =	shalt  }
0x71: {  	_ =	shalt  }
0x72: {  	_ =	shalt  }
0x73: {  	_ =	shalt  }
0x74: {  	_ =	shalt  }
0x75: {  	_ =	shalt  }
0x76: {  	_ =	shalt  }
0x77: {  	_ =	shalt  }
0x78: {  	_ =	shalt  }
0x79: {  	_ =	shalt  }
0x7a: {  	_ =	shalt  }
0x7b: {  	_ =	shalt  }
0x7c: {  	_ =	shalt  }
0x7d: {  	_ =	shalt  }
0x7e: {  	_ =	shalt  }
0x7f: {  	_ =	shalt  }
0x80: {  	_ =	shalt  }
0x81: {  	_ =	shalt  }
0x82: {  	_ =	shalt  }
0x83: {  	_ =	shalt  }
0x84: {  	_ =	shalt  }
0x85: {  	_ =	shalt  }
0x86: {  	_ =	shalt  }
0x87: {  	_ =	shalt  }
.Lfunc_end0:
.L_simem_size_0:
called_computation_lowered:
.L_overlay_start_0:
0x88: {  	s2 =	sld [smem:$0x3FD9]  }
0x89: {  	s3 =	sld [smem:$0x3FFE];
	_ =	sdelay $0x1  }
0x8a: {  	s1 =	srdreg.scid  }
0x8b: {  	s0 =	sand.u32 $0x1, s1  }
0x8c: {  	s18 =	sshll.u32 s0, $0xA;
	s2 =	sadd.s32 s3, s2  }
0x8d: {  	s2 =	sadd.s32 s2, s18  }
0x8e: {  	[smem:$0x3FC6] =	sst s2  }
0x8f: {  	_ = 	snop  }
0x90: {  	s2 =	sld [smem:$0x3FC9]  }
0x91: {  	s19 =	sld [smem:$0x3FC8]  }
0x92: {  	s4 =	sld [smem:$0x3FD0];
	(tm) =	ssettm $0x1  }
0x93: {  	s5 =	sld [smem:$0x3FFB];
	_ =	sdelay $0x3  }
0x94: {  	_ =	strace s5  }
0x95: {  	s5 =	sld [smem:$0x3FFC];
	_ =	sdelay $0x3  }
0x96: {  	_ =	strace s5  }
0x97: {  	s5 =	sld [smem:$0x3FFD];
	_ =	sdelay $0x3  }
0x98: {  	_ =	strace s5  }
0x99: {  	_ =	strace $0x8FFFFFFF  }
0x9a: {  	s20 =	sld [smem:$0x3FDB];
	_ =	sdelay $0x1  }
0x9b: {  	s6 =	simm.s32 $_scs_section_size  }
0x9c: {  	s7 =	simm.s32 $_size__tile_overlayer_lowered;
	s8 =	simm.s32 $_tile_overlayer_lowered  }
0x9d: {  	s23 =	simm.s32 $0x1BFF;
	s22 =	sshll.u32 s8, $0x1;
	s5 =	sadd.s32 s6, s20  }
0x9e: {  	s9 =	simm.s32 $0x0;
	s21 =	sshll.u32 s7, $0x1;
	s7 =	sadd.s32 s22, s5  }
0x9f: {  	[timem:s9], [sflag:s23] =	dma.local [hbm:s7], s21  }
0xa0: {  	_ =	swait.ge [sflag:s23], s21  }
0xa1: {  	s6 =	ssub.s32 $0x0, s21;
	[sflag:s23] =	ssyncset.done $0x0  }
0xa2: {  	[sflag:s23] =	ssyncadd.s32 s6;
	_ =	sdelay $0x1  }
0xa3: {  	s24 =	simm.s32 $0x1B8B  }
0xa4: {  	_ =	swait.ge [sflag:s24], $0x1  }
0xa5: {  	[sflag:s24] =	ssyncset.done $0x0  }
0xa6: {  	s25 =	simm.s32 $0x1B8E;
	[sflag:s24] =	ssyncadd.s32 $0xFFFFFFFF  }
0xa7: {  	s26 =	simm.s32 $execute0_lowered;
	[smem:$0x3FD2] =	sst s25  }
0xa8: {  	s6 =	sshll.u32 s26, $0x1;
	_ =	strace $0x80000046;
	[dreg:$0x1] =	wrdreg $0xFFFFFFFF  }
0xa9: {  	s28 =	simm.s32 $_size_execute0_lowered;
	s5 =	sadd.s32 s5, s6;
	[dreg:$0x0] =	wrdreg $0x0  }
0xaa: {  	s6 =	sshll.u32 s28, $0x1;
	[dreg:$0x2] =	wrdreg s5  }
0xab: {  	[dreg:$0x3] =	wrdreg s6  }
0xac: {  	[dreg:$0x4] =	wrdreg $0xC0  }
0xad: {  	_ =	task [dreg:s9], $0x5FFFF  }
0xae: {  	[dreg:$0x1] =	wrdreg $0xFFFFFFFF  }
0xaf: {  	[dreg:$0x0] =	wrdreg $0x60  }
0xb0: {  	[dreg:$0x2] =	wrdreg s2  }
0xb1: {  	[dreg:$0x3] =	wrdreg s19  }
0xb2: {  	[dreg:$0x4] =	wrdreg s4  }
0xb3: {  	[dreg:$0x5] =	wrdreg $0x0  }
0xb4: {  	[dreg:$0x6] =	wrdreg $0x9  }
0xb5: {  	_ =	task.clear_ibuf [dreg:s9], $0x7FFFF;
	_ =	strace $0x90000046  }
0xb6: {  	s29 =	simm.s32 $0x9;
	_ =	strace $0x80000048  }
0xb7: {  	_ =	swait.ge [sflag:s29], $0x1  }
0xb8: {  	[sflag:s29] =	ssyncadd.s32 $0xFFFFFFFF  }
0xb9: {  	_ =	strace $0x90000048  }
0xba: {  	_ =	sfence  }
0xbb: {  	s30 =	sld [smem:$0x0];
	_ =	sdelay $0x2  }
0xbc: {  	s31 =	sshll.u32 s1, $0xD;
	s1 =	sshrl.u32 s1, $0x2  }
0xbd: {  	s3 =	sand.u32 $0x4000, s31;
	s1 =	sadd.s32 s1, s30  }
0xbe: {  	s0 =	sor.u32 s3, s0;
	s1 =	sshll.u32 s1, $0x11  }
0xbf: {  	s0 =	sor.u32 s1, s0  }
0xc0: {  	s0 =	sadd.s32 $0x8F2B, s0  }
0xc1: {  	[sflag:s0] =	ssyncadd.remote.s32 $0x1  }
0xc2: {  	_ =	sfence.sel $0xFFFF  }
0xc3: {  	[dreg:$0x0] =	wrdreg $0xFFFFFFFF;
	(pc) =	sbr.abs _section_cstart, $3  }
0xc4: {  	[dreg:$0x1] =	wrdreg $0xFFFFFFFF  }
0xc5: {  	_ =	task.clear_ibuf [dreg:s9], $0x2FFFF;
	_ =	strace $0x9FFFFFFF  }
0xc6: {  	(tm) =	ssettm $0x7FFFFFFF  }
0xc7: {  	_ =	shalt  }
tec
execute0_lowered:
.L_overlay_start_1:
0x0: {  	(tag) =	ssettag $0x1  }
0x1: {  	s0 =	rddreg [dreg:$0x0]  }
0x2: {  	s1 =	rddreg [dreg:$0x1]  }
0x3: {  	s2 =	srdreg.scid;
	s8 =	rddreg [dreg:$0x2]  }
0x4: {  	s17 =	stileid.u32;
	s3 =	rddreg [dreg:$0x3];
	s4 =	simm.s32 $0x0  }
0x5: {  	s28 =	simm.s32 $0x9;
	s29 =	simm.s32 $0x1;
	s30 =	simm.s32 $0x0  }
0x6: {  	s7 =	sand.u32 $0x1, s2;
	[smem:$0x7FF] =	sst s4;
	s11 =	smul.u32 $0x8200, s17  }
0x7: {  	s19 =	smul.u32 $0xFFFFF580, s17;
	s21 =	sshll.u32 s17, $0xA;
	s23 =	sshll.u32 s17, $0xD  }
0x8: {  	s2 =	sshll.u32 s7, $0x4;
	_ =	strace $0x80000047;
	s5 =	ssub.s32 $0x2, s7  }
0x9: {  	s20 =	smul.u32 $0xFFFF5800, s7;
	s22 =	sshll.u32 s7, $0xE;
	s8 =	sadd.s32 s8, s21  }
0xa: {  	s24 =	smul.u32 $0xA800, s7;
	s2 =	sor.u32 s17, s2;
	s9 =	sshrl.u32 s5, $0x1  }
0xb: {  	s11 =	sshrl.u32 s11, $0x2;
	s8 =	sadd.s32 s22, s8;
	s2 =	smul.u32 $0xA80, s2  }
0xc: {  	s9 =	ssub.s32 s5, s9;
	s13 =	sadd.s32 s11, s3;
	[dreg:$0xd] =	wrdreg s8  }
0xd: {  	s8 =	sadd.s32 s23, s3;
	s6 =	ssub.s32 $0x14CA0, s2;
	s2 =	sshll.u32 s2, $0x4  }
0xe: {  	[dreg:$0xb] =	wrdreg s13;
	s9 =	smax.u32 s9, $0x1;
	s2 =	sadd.s32 s0, s2  }
0xf: {  	[dreg:$0xf] =	wrdreg s9;
	s10 =	smin.u32 s6, $0xA80;
	s2 =	sadd.s32 $0x3A000, s2  }
0x10: {  	s5 =	sshrl.u32 s10, $0x7;
	s6 =	sand.u32 $0xF80, s10;
	[dreg:$0xa] =	wrdreg s2  }
0x11: {  	s14 =	sadd.s32 $0x14480, s6;
	s2 =	sand.u32 $0x20, s10;
	s15 =	sadd.s32 $0xFFFFFFFF, s5  }
0x12: {  	s16 =	sadd.s32 $0xFFFFFFFE, s5;
	s12 =	sand.u32 $0x3, s5;
	s13 =	sadd.s32 $0x1, s5  }
0x13: {  	s18 =	sadd.s32 $0xFFFFFFFD, s5;
	s26 =	sadd.s32 $0xFFFFFFFC, s5;
	[dreg:$0xc] =	wrdreg s14  }
0x14: {  	s10 =	sand.u32 $0x3, s15;
	p1 =	seq.s32 s12, $0x2;
	s14 =	smul.u32 $0xA80, s17  }
0x15: {  	s13 =	sand.u32 $0x3, s13;
	[dreg:$0x6] =	wrdreg s16;
	s15 =	smul.u32 $0xA8000, s7  }
0x16: {  	p2 =	seq.s32 s12, $0x3;
	[dreg:$0x7] =	wrdreg s18;
	s16 =	smul.u32 $0xA800, s17  }
0x17: {  	p3 =	seq.s32 s12, $0x0;
	[dreg:$0x8] =	wrdreg s26;
	s7 =	smul.u32 $0x540000, s7  }
0x18: {  	s17 =	smul.u32 $0x54000, s17;
	p0 =	seq.s32 s10, $0x0;
	p4 =	seq.s32 s13, $0x0  }
0x19: {  	p5 =	seq.s32 s10, $0x1;
	p6 =	seq.s32 s10, $0x2;
	p0 =	por p1, p0  }
0x1a: {  	p1 =	por p2, p5;
	p2 =	por p3, p6;
	p5 =	seq.s32 s12, $0x1  }
0x1b: {  	p6 =	seq.s32 s13, $0x3;
	s15 =	sadd.s32 s15, s0;
	s7 =	sadd.s32 s17, s7  }
0x1c: {  	p0 =	por p4, p0;
	p4 =	seq.s32 s13, $0x1;
	s15 =	sadd.s32 s16, s15  }
0x1d: {  	s22 =	sadd.s32 $0x1D4000, s7;
	s26 =	sadd.s32 $0x1DC000, s7;
	s11 =	simm.s32 @!p0 $0x0  }
0x1e: {  	p1 =	por p4, p1;
	p4 =	seq.s32 s10, $0x3;
	s10 =	sadd.s32 s20, s19  }
0x1f: {  	s9 =	sshrl.u32 s22, $0x3;
	s11 =	simm.s32 @p0 $0x1;
	p0 =	seq.s32 s13, $0x2  }
0x20: {  	p3 =	por p5, p4;
	s10 =	sadd.s32 $0x14CA0, s10;
	s13 =	sadd.s32 s14, s24  }
0x21: {  	p4 =	seq.s32 s2, $0x0;
	[smem:$0x7FD] =	sst s11;
	p2 =	por p0, p2  }
0x22: {  	p3 =	por p6, p3;
	s10 =	smin.u32 s10, $0xA80;
	s31 =	sadd.s32 $0x3A00, s13  }
0x23: {  	s18 =	sshrl.u32 s10, $0x7;
	s25 =	sshrl.u32 s10, $0x3;
	s12 =	sshrl.u32 s31, $0x3  }
0x24: {  	s10 =	sand.u32 $0xF80, s10;
	s11 =	sand.u32 $0x4, s25;
	s19 =	sadd.s32 $0x3, s18  }
0x25: {  	s13 =	sshll.u32 s18, $0x4;
	s14 =	sadd.s32 s12, s1;
	s20 =	sshll.u32 s18, $0xB  }
0x26: {  	s21 =	sadd.s32 $0x14480, s10;
	s17 =	sadd.s32 s10, s31;
	s23 =	ssub.s32 $0x0, s18  }
0x27: {  	s25 =	sadd.s32 $0x1E0000, s7;
	s7 =	sadd.s32 $0x1D8000, s7;
	[dreg:$0xe] =	wrdreg s11  }
0x28: {  	s10 =	sshrl.u32 s26, $0x3;
	s31 =	simm.s32 $0x80;
	[dreg:$0x10] =	wrdreg s21  }
0x29: {  	s26 =	simm.s32 $0xA;
	s16 =	sadd.s32 s20, s15;
	[dreg:$0x11] =	wrdreg s23  }
0x2a: {  	s24 =	sand.u32 $0x3C, s19;
	s19 =	sadd.s32 s9, s0;
	s9 =	sshrl.u32 s25, $0x3  }
0x2b: {  	s7 =	sshrl.u32 s7, $0x3;
	s21 =	sadd.s32 s10, s0;
	s23 =	simm.s32 $0x4480  }
0x2c: {  	[dreg:$0x5] =	wrdreg s31;
	s25 =	sshrl.u32 s8, $0x3;
	s16 =	sadd.s32 $0x3A000, s16  }
0x2d: {  	v0 =	vimm.f32 $0.0e+00;
	v1 =	vimm.s32 $0x400;
	[dreg:$0x9] =	wrdreg s24;
	s9 =	sadd.s32 s9, s0;
	s22 =	sadd.s32 s7, s0  }
.LBB2_1:
0x2e: {  	p5 =	sne.s32 s13, $0x10  }
.Ltmp0:
0x2f: {  	_ = 	snop;
	(pc) =	sbr.rel @!p5 .LBB2_3-.Ltmp0, $3  }
0x30: {  	_ =	sdelay $0x1  }
0x31: {  	s0 =	simm.s32 $0x14480;
	s2 =	sadd.s32 $0xFFFFFFF0, s13;
	s7 =	smov.u32 s14  }
0x32: {  	[tilespmem:s0], [sflag:$0x9] =	stream.linear.gather [hbm4b:s14+s4], $0x80, $0x38;
	[tilespmem:$0x15080] =	vst v63  }
.LBB2_2:
0x33: {  	p5 =	sne.s32 s2, $0x10  }
.Ltmp1:
0x34: {  	_ = 	snop;
	(pc) =	sbr.rel @p5 .LBB2_2-.Ltmp1, $4  }
0x35: {  	_ = 	snop  }
0x36: {  	s7 =	sadd.s32 $0x10, s7;
	s0 =	sadd.s32 $0x80, s0  }
0x37: {  	s2 =	sadd.s32 $0xFFFFFFF0, s2  }
0x38: {  	[tilespmem:s0], [sflag:$0x9] =	stream.linear.gather [hbm4b:s7+s4], $0x80, $0x38;
	[tilespmem:$0x15080] =	vst v63  }
.LBB2_3:
0x39: {  	s0 =	simm.s32 $0x0;
	s2 =	rddreg [dreg:$0xa]  }
0x3a: {  	[tilespmem:s23], [sflag:$0x1] =	stream.linear.gather [hbm4b:s2+s0], $0x4000, $0x38;
	[tilespmem:$0x15080] =	vst v63  }
0x3b: {  	s0 =	simm.s32 $0x0;
	s2 =	simm.s32 $0x200  }
.LBB2_4:
0x3c: {  	p5 =	sne.s32 s2, $0x8000;
	[tilespmem:s0+$0x20F0] =	vst v0  }
0x3d: {  	[tilespmem:s0+$0x2080] =	vst v0  }
0x3e: {  	[tilespmem:s0+$0x2090] =	vst v0  }
.Ltmp2:
0x3f: {  	[tilespmem:s0+$0x20A0] =	vst v0;
	(pc) =	sbr.rel @p5 .LBB2_4-.Ltmp2, $4  }
0x40: {  	[tilespmem:s0+$0x20B0] =	vst v0  }
0x41: {  	[tilespmem:s0+$0x20C0] =	vst v0  }
0x42: {  	[tilespmem:s0+$0x20D0] =	vst v0  }
0x43: {  	[tilespmem:s0+$0x20E0] =	vst v0;
	s0 =	sshra.s32 s2, $0x2;
	s2 =	sadd.s32 $0x200, s2  }
0x44: {  	[tilespmem:s0+$0x20F0] =	vst v0  }
0x45: {  	[tilespmem:s0+$0x2080] =	vst v0  }
0x46: {  	[tilespmem:s0+$0x2090] =	vst v0  }
0x47: {  	[tilespmem:s0+$0x20A0] =	vst v0  }
0x48: {  	[tilespmem:s0+$0x20B0] =	vst v0  }
0x49: {  	[tilespmem:s0+$0x20C0] =	vst v0  }
0x4a: {  	[tilespmem:s0+$0x20D0] =	vst v0  }
0x4b: {  	[tilespmem:s0+$0x20E0] =	vst v0;
	s31 =	rddreg [dreg:$0xb];
	s2 =	simm.s32 $0x2080  }
0x4c: {  	[spmem:s31] =	stream.linear.scatter [tilespmem:s2], [sflag:$0xA], $0x2080, $0x38;
	[tilespmem:$0x15080] =	vst v63  }
0x4d: {  	_ =	swait.ge [sflag:s26], $0x2080  }
0x4e: {  	[sflag:s26] =	ssyncset.done $0x0  }
0x4f: {  	[sflag:s26] =	ssyncadd.s32 $0xFFFFDF80  }
0x50: {  	[tilespmem:s6+$0x14480] =	vst v1  }
0x51: {  	[tilespmem:s6+$0x14490] =	vst v1  }
0x52: {  	[tilespmem:s6+$0x144A0] =	vst v1  }
.Ltmp3:
0x53: {  	[tilespmem:s6+$0x144B0] =	vst v1;
	(pc) =	sbr.rel @p4 .LBB2_11-.Ltmp3, $4  }
0x54: {  	[tilespmem:s6+$0x144C0] =	vst v1  }
0x55: {  	[tilespmem:s6+$0x144D0] =	vst v1  }
0x56: {  	[tilespmem:s6+$0x144E0] =	vst v1  }
0x57: {  	[tilespmem:s6+$0x144F0] =	vst v1  }
0x58: {  	s2 =	rddreg [dreg:$0xe]  }
0x59: {  	p6 =	sne.s32 s2, $0x1  }
.Ltmp4:
0x5a: {  	_ = 	snop;
	(pc) =	sbr.rel @!p6 .LBB2_7-.Ltmp4, $3  }
0x5b: {  	_ =	sdelay $0x1  }
0x5c: {  	s0 =	simm.s32 $0x10480;
	s20 =	simm.s32 $0x0  }
0x5d: {  	s24 =	sadd.s32 $0x0, s17;
	p5 =	por $0x0, $0x0;
	s2 =	sadd.s32 $0xFFFFFFFF, s2  }
0x5e: {  	s7 =	sand.u32 $0xFFFFFF80, s20;
	s8 =	sshrl.u32 s24, $0x3;
	s10 =	rddreg [dreg:$0x10]  }
0x5f: {  	s7 =	sadd.s32 s7, s10;
	s8 =	sadd.s32 s1, s8  }
0x60: {  	[tilespmem:s7], [sflag:$0xA] =	stream.linear.gather [hbm4b:s8+s4], $0x8, $0x38;
	[tilespmem:$0x15080] =	vst v63  }
0x61: {  	p6 =	sne.s32 s2, $0x1;
	s20 =	simm.s32 $0x8;
	_ =	swait.ge [sflag:s26], $0x8  }
.Ltmp5:
0x62: {  	s24 =	sadd.s32 $0x8, s17;
	[sflag:s26] =	ssyncset.done $0x0;
	(pc) =	sbr.rel @!p6 .LBB2_10-.Ltmp5, $4  }
0x63: {  	p5 =	por $0x1, $0x1;
	s8 =	sadd.s32 $0xFFFFFFFF, s2;
	[sflag:s26] =	ssyncadd.s32 $0xFFFFFFF8  }
0x64: {  	[tilespmem:s0], [sflag:$0xA] =	stream.linear.gather [hbm4b:s16+s4], $0x400, $0x38;
	[tilespmem:$0x15080] =	vst v63  }
0x65: {  	s2 =	sadd.s32 $0x80, s16;
	s7 =	sadd.s32 $0x8, s10;
	_ =	swait.ge [sflag:s26], $0x400  }
0x66: {  	s10 =	simm.s32 $0x8;
	s0 =	simm.s32 $0x10880;
	[sflag:s26] =	ssyncset.done $0x0  }
.LBB2_9:
0x67: {  	s20 =	sand.u32 $0xFFFFFF80, s20;
	s24 =	sshrl.u32 s24, $0x3;
	[sflag:s26] =	ssyncadd.s32 $0xFFFFFC00  }
0x68: {  	p6 =	sne.s32 s8, $0x1;
	s20 =	sadd.s32 s20, s7;
	s24 =	sadd.s32 s1, s24  }
0x69: {  	[tilespmem:s20], [sflag:$0xA] =	stream.linear.gather [hbm4b:s24+s4], $0x8, $0x38;
	[tilespmem:$0x15080] =	vst v63  }
0x6a: {  	s8 =	sadd.s32 $0xFFFFFFFF, s8;
	s20 =	smov.u32 s2;
	_ =	swait.ge [sflag:s26], $0x8  }
.Ltmp6:
0x6b: {  	s2 =	sadd.s32 $0x80, s2;
	[sflag:s26] =	ssyncset.done $0x0;
	(pc) =	sbr.rel @p6 .LBB2_9-.Ltmp6, $4  }
0x6c: {  	s10 =	sadd.s32 $0x8, s10;
	s7 =	sadd.s32 $0x8, s7;
	[sflag:s26] =	ssyncadd.s32 $0xFFFFFFF8  }
0x6d: {  	[tilespmem:s0], [sflag:$0xA] =	stream.linear.gather [hbm4b:s20+s4], $0x400, $0x38;
	[tilespmem:$0x15080] =	vst v63  }
0x6e: {  	s20 =	sshll.u32 s10, $0x2;
	s0 =	sadd.s32 $0x400, s0;
	_ =	swait.ge [sflag:s26], $0x400  }
0x6f: {  	s24 =	sadd.s32 s10, s17;
	s20 =	sshra.s32 s20, $0x2;
	[sflag:s26] =	ssyncset.done $0x0  }
.LBB2_10:
0x70: {  	s8 =	sand.u32 $0xFFFFFF80, s20;
	s10 =	sshrl.u32 s24, $0x3  }
0x71: {  	[sflag:s26] =	ssyncadd.s32 @p5 $0xFFFFFC00;
	s7 =	sadd.s32 s8, s7;
	s31 =	sadd.s32 s1, s10  }
0x72: {  	[tilespmem:s7], [sflag:$0xA] =	stream.linear.gather [hbm4b:s31+s4], $0x8, $0x38;
	[tilespmem:$0x15080] =	vst v63  }
0x73: {  	_ =	swait.ge [sflag:s26], $0x8  }
0x74: {  	[sflag:s26] =	ssyncset.done $0x0  }
0x75: {  	[sflag:s26] =	ssyncadd.s32 $0xFFFFFFF8  }
0x76: {  	[tilespmem:s0], [sflag:$0xA] =	stream.linear.gather [hbm4b:s2+s4], $0x400, $0x38;
	[tilespmem:$0x15080] =	vst v63  }
0x77: {  	_ =	swait.ge [sflag:s26], $0x400  }
0x78: {  	[sflag:s26] =	ssyncset.done $0x0  }
0x79: {  	[sflag:s26] =	ssyncadd.s32 $0xFFFFFC00  }
.LBB2_11:
0x7a: {  	s0 =	rddreg [dreg:$0x11]  }
0x7b: {  	s0 =	sadd.s32 $0x1, s0  }
0x7c: {  	p5 =	seq.s32 s0, $0x0  }
.Ltmp7:
0x7d: {  	_ = 	snop;
	(pc) =	sbr.rel @p5 .LBB2_13-.Ltmp7, $3  }
0x7e: {  	_ =	sdelay $0x1  }
0x7f: {  	_ =	swait.ge [sflag:s28], $0x80  }
0x80: {  	[sflag:s28] =	ssyncset.done $0x0  }
.LBB2_12:
0x81: {  	s0 =	sadd.s32 $0x1, s0  }
0x82: {  	[sflag:s28] =	ssyncadd.s32 $0xFFFFFF80;
	p5 =	seq.s32 s0, $0x0  }
.Ltmp8:
0x83: {  	(pc) =	sbr.rel @!p5 .LBB2_12-.Ltmp8, $3  }
0x84: {  	_ =	sdelay $0x1  }
0x85: {  	_ =	swait.ge [sflag:s28], $0x80  }
0x86: {  	[sflag:s28] =	ssyncset.done $0x0  }
.LBB2_13:
0x87: {  	[sflag:s28] =	ssyncadd.s32 $0xFFFFFF80  }
0x88: {  	[bflag:$0x0] =	sbarrier.arrive $0xFFFF  }
0x89: {  	s0 =	simm.s32 @!p4 $0x80;
	s2 =	simm.s32 @!p4 $0x10480;
	s7 =	rddreg [dreg:$0xc]  }
0x8a: {  	[spmem:s3] =	stream.indirect.scatter.add.f32 @!p4 [tilespmem:s2], [sflag:$0xA], $0x80, s7, s0, $0xb8;
	[tilespmem:$0x15080] =	vst v63  }
0x8b: {  	s0 =	simm.s32 @!p4 $0xA  }
0x8c: {  	_ =	swait.ge @!p4 [sflag:s0], $0x4000  }
0x8d: {  	[sflag:s0] =	ssyncset.done @!p4 $0x0  }
0x8e: {  	[sflag:s0] =	ssyncadd.s32 @!p4 $0xFFFFC000  }
0x8f: {  	_ =	swait.ge [sflag:s29], $0x4000  }
0x90: {  	p6 =	por $0x1, $0x1;
	s18 =	simm.s32 $0x14480;
	[sflag:s29] =	ssyncset.done $0x0  }
0x91: {  	s7 =	simm.s32 @!p6 $0x6;
	s15 =	rddreg [dreg:$0x5];
	[sflag:s29] =	ssyncadd.s32 $0xFFFFC000  }
0x92: {  	[spmem:s3] =	stream.indirect.scatter.add.f32 [tilespmem:s23], [sflag:$0x5], $0x80, s18, s15, $0xb8;
	[tilespmem:$0x15080] =	vst v63  }
0x93: {  	p5 =	sle.u32 s5, $0x1;
	_ =	swait.ge @!p6 [sflag:s7], $0x4000  }
0x94: {  	s2 =	simm.s32 @!p5 $0x8480;
	[sflag:s7] =	ssyncset.done @!p6 $0x0  }
0x95: {  	s0 =	simm.s32 @!p5 $0x0;
	[sflag:s7] =	ssyncadd.s32 @!p6 $0xFFFFC000;
	s7 =	simm.s32 @!p5 $0x2  }
0x96: {  	[tilespmem:s2], [sflag:$0x2] =	stream.linear.gather @!p5 [hbm4b:s19+s0], $0x4000, $0x38;
	[tilespmem:$0x15080] =	vst v63  }
0x97: {  	p6 =	por @!p5 $0x1, $0x1;
	_ =	swait.ge @!p5 [sflag:s7], $0x4000  }
0x98: {  	s8 =	simm.s32 @!p5 $0x14500;
	p6 =	por p6, p5;
	[sflag:s7] =	ssyncset.done @!p5 $0x0  }
0x99: {  	s0 =	simm.s32 @!p5 $0x80;
	[sflag:s7] =	ssyncadd.s32 @!p5 $0xFFFFC000;
	s7 =	simm.s32 @!p6 $0x7  }
0x9a: {  	[spmem:s3] =	stream.indirect.scatter.add.f32 @!p5 [tilespmem:s2], [sflag:$0x6], $0x80, s8, s0, $0xb8;
	[tilespmem:$0x15080] =	vst v63  }
0x9b: {  	_ =	swait.ge @!p6 [sflag:s7], $0x4000  }
0x9c: {  	s0 =	rddreg [dreg:$0x6]  }
0x9d: {  	[sflag:s7] =	ssyncset.done @!p6 $0x0;
	p0 =	sle.u32 @!p5 s0, $0x0  }
0x9e: {  	[sflag:s7] =	ssyncadd.s32 @!p6 $0xFFFFC000;
	p0 =	por p0, p5;
	p5 =	sle.u32 s5, $0x2  }
0x9f: {  	s0 =	simm.s32 @!p0 $0x0;
	s2 =	simm.s32 @!p0 $0xC480;
	s7 =	simm.s32 @!p5 $0x3  }
0xa0: {  	[tilespmem:s2], [sflag:$0x3] =	stream.linear.gather @!p0 [hbm4b:s22+s0], $0x4000, $0x38;
	[tilespmem:$0x15080] =	vst v63  }
0xa1: {  	p0 =	por @!p5 $0x1, $0x1;
	s0 =	simm.s32 @!p5 $0x80;
	_ =	swait.ge @!p5 [sflag:s7], $0x4000  }
0xa2: {  	s2 =	simm.s32 @!p5 $0x14580;
	p0 =	por p0, p5;
	[sflag:s7] =	ssyncset.done @!p5 $0x0  }
0xa3: {  	s8 =	simm.s32 @!p0 $0x8;
	[sflag:s7] =	ssyncadd.s32 @!p5 $0xFFFFC000;
	s7 =	simm.s32 @!p5 $0xC480  }
0xa4: {  	[spmem:s3] =	stream.indirect.scatter.add.f32 @!p5 [tilespmem:s7], [sflag:$0x7], $0x80, s2, s0, $0xb8;
	[tilespmem:$0x15080] =	vst v63  }
0xa5: {  	_ =	swait.ge @!p0 [sflag:s8], $0x4000  }
0xa6: {  	s0 =	rddreg [dreg:$0x7]  }
0xa7: {  	[sflag:s8] =	ssyncset.done @!p0 $0x0;
	p6 =	sle.u32 @!p5 s0, $0x0  }
0xa8: {  	[sflag:s8] =	ssyncadd.s32 @!p0 $0xFFFFC000;
	p0 =	por p6, p5;
	p5 =	sle.u32 s5, $0x3  }
0xa9: {  	s0 =	simm.s32 @!p0 $0x0;
	s2 =	simm.s32 @!p0 $0x10480;
	s7 =	simm.s32 @!p5 $0x4  }
0xaa: {  	[tilespmem:s2], [sflag:$0x4] =	stream.linear.gather @!p0 [hbm4b:s21+s0], $0x4000, $0x38;
	[tilespmem:$0x15080] =	vst v63  }
0xab: {  	_ =	swait.ge @!p5 [sflag:s7], $0x4000  }
0xac: {  	s8 =	simm.s32 @!p5 $0x80;
	s0 =	simm.s32 @!p5 $0x10480;
	[sflag:s7] =	ssyncset.done @!p5 $0x0  }
0xad: {  	s2 =	simm.s32 @!p5 $0x14600;
	[sflag:s7] =	ssyncadd.s32 @!p5 $0xFFFFC000;
	s7 =	simm.s32 @!p5 $0x5  }
0xae: {  	[spmem:s3] =	stream.indirect.scatter.add.f32 @!p5 [tilespmem:s0], [sflag:$0x8], $0x80, s2, s8, $0xb8;
	[tilespmem:$0x15080] =	vst v63  }
0xaf: {  	_ =	swait.ge @!p5 [sflag:s7], $0x4000  }
0xb0: {  	s20 =	rddreg [dreg:$0x9]  }
0xb1: {  	p6 =	sne.s32 s20, $0x4  }
.Ltmp9:
0xb2: {  	_ = 	snop;
	(pc) =	sbr.rel @!p6 .LBB2_15-.Ltmp9, $4  }
0xb3: {  	s31 =	simm.s32 $0x4;
	s24 =	sadd.s32 $0x2000, s22;
	s2 =	sadd.s32 $0x2000, s21  }
0xb4: {  	s8 =	sadd.s32 $0x2000, s19;
	s0 =	rddreg [dreg:$0x8];
	[sflag:s7] =	ssyncset.done @!p5 $0x0  }
0xb5: {  	[sflag:s7] =	ssyncadd.s32 @!p5 $0xFFFFC000;
	p0 =	sle.u32 @!p5 s0, $0x0;
	s0 =	simm.s32 $0x14680  }
0xb6: {  	s7 =	sadd.s32 $0x2000, s9;
	s20 =	smov.u32 s9;
	p5 =	por p0, p5  }
.LBB2_14:
0xb7: {  	s11 =	simm.s32 @!p5 $0x0;
	s12 =	simm.s32 @!p5 $0x4480  }
0xb8: {  	[tilespmem:s12], [sflag:$0x1] =	stream.linear.gather @!p5 [hbm4b:s20+s11], $0x4000, $0x38;
	[tilespmem:$0x15080] =	vst v63  }
0xb9: {  	s10 =	smov.u32 s31;
	_ =	swait.ge [sflag:s29], $0x4000  }
0xba: {  	p0 =	seq.s32 s10, $0x0;
	s15 =	sadd.s32 $0x1, s10;
	[sflag:s29] =	ssyncset.done $0x0  }
0xbb: {  	s12 =	simm.s32 @!p0 $0x6;
	s18 =	rddreg [dreg:$0x5];
	[sflag:s29] =	ssyncadd.s32 $0xFFFFC000  }
0xbc: {  	[spmem:s3] =	stream.indirect.scatter.add.f32 [tilespmem:s23], [sflag:$0x5], $0x80, s0, s18, $0xb8;
	[tilespmem:$0x15080] =	vst v63  }
0xbd: {  	p5 =	sge.u32 s15, s5;
	_ =	swait.ge @!p0 [sflag:s12], $0x4000  }
0xbe: {  	s11 =	simm.s32 @!p5 $0x0;
	[sflag:s12] =	ssyncset.done @!p0 $0x0  }
0xbf: {  	s15 =	simm.s32 @!p5 $0x8480;
	[sflag:s12] =	ssyncadd.s32 @!p0 $0xFFFFC000;
	s12 =	simm.s32 @!p5 $0x2  }
0xc0: {  	[tilespmem:s15], [sflag:$0x2] =	stream.linear.gather @!p5 [hbm4b:s8+s11], $0x4000, $0x38;
	[tilespmem:$0x15080] =	vst v63  }
0xc1: {  	p0 =	seq.s32 @!p5 s10, $0x0;
	_ =	swait.ge @!p5 [sflag:s12], $0x4000  }
0xc2: {  	s18 =	sadd.s32 @!p5 $0x80, s0;
	p6 =	por p0, p5;
	[sflag:s12] =	ssyncset.done @!p5 $0x0  }
0xc3: {  	s11 =	simm.s32 @!p5 $0x80;
	[sflag:s12] =	ssyncadd.s32 @!p5 $0xFFFFC000;
	s12 =	simm.s32 @!p6 $0x7  }
0xc4: {  	[spmem:s3] =	stream.indirect.scatter.add.f32 @!p5 [tilespmem:s15], [sflag:$0x6], $0x80, s18, s11, $0xb8;
	[tilespmem:$0x15080] =	vst v63  }
0xc5: {  	_ =	swait.ge @!p6 [sflag:s12], $0x4000  }
0xc6: {  	s11 =	rddreg [dreg:$0x6]  }
0xc7: {  	s18 =	sadd.s32 $0x2, s10;
	[sflag:s12] =	ssyncset.done @!p6 $0x0;
	p0 =	sge.u32 @!p5 s10, s11  }
0xc8: {  	[sflag:s12] =	ssyncadd.s32 @!p6 $0xFFFFC000;
	p0 =	por p0, p5;
	p5 =	sge.u32 s18, s5  }
0xc9: {  	s11 =	simm.s32 @!p0 $0x0;
	s12 =	simm.s32 @!p0 $0xC480;
	s15 =	simm.s32 @!p5 $0x3  }
0xca: {  	[tilespmem:s12], [sflag:$0x3] =	stream.linear.gather @!p0 [hbm4b:s24+s11], $0x4000, $0x38;
	[tilespmem:$0x15080] =	vst v63  }
0xcb: {  	p0 =	seq.s32 @!p5 s10, $0x0;
	s11 =	simm.s32 @!p5 $0x80;
	_ =	swait.ge @!p5 [sflag:s15], $0x4000  }
0xcc: {  	s12 =	sadd.s32 @!p5 $0x100, s0;
	p6 =	por p0, p5;
	[sflag:s15] =	ssyncset.done @!p5 $0x0  }
0xcd: {  	s18 =	simm.s32 @!p6 $0x8;
	[sflag:s15] =	ssyncadd.s32 @!p5 $0xFFFFC000;
	s15 =	simm.s32 @!p5 $0xC480  }
0xce: {  	[spmem:s3] =	stream.indirect.scatter.add.f32 @!p5 [tilespmem:s15], [sflag:$0x7], $0x80, s12, s11, $0xb8;
	[tilespmem:$0x15080] =	vst v63  }
0xcf: {  	_ =	swait.ge @!p6 [sflag:s18], $0x4000  }
0xd0: {  	s11 =	rddreg [dreg:$0x7]  }
0xd1: {  	s15 =	sadd.s32 $0x3, s10;
	[sflag:s18] =	ssyncset.done @!p6 $0x0;
	p0 =	sge.u32 @!p5 s10, s11  }
0xd2: {  	[sflag:s18] =	ssyncadd.s32 @!p6 $0xFFFFC000;
	p0 =	por p0, p5;
	p5 =	sge.u32 s15, s5  }
0xd3: {  	s11 =	simm.s32 @!p0 $0x0;
	s12 =	simm.s32 @!p0 $0x10480;
	s15 =	simm.s32 @!p5 $0x4  }
0xd4: {  	[tilespmem:s12], [sflag:$0x4] =	stream.linear.gather @!p0 [hbm4b:s2+s11], $0x4000, $0x38;
	[tilespmem:$0x15080] =	vst v63  }
0xd5: {  	_ =	swait.ge @!p5 [sflag:s15], $0x4000  }
0xd6: {  	s18 =	simm.s32 @!p5 $0x80;
	s11 =	simm.s32 @!p5 $0x10480;
	[sflag:s15] =	ssyncset.done @!p5 $0x0  }
0xd7: {  	s12 =	sadd.s32 @!p5 $0x180, s0;
	[sflag:s15] =	ssyncadd.s32 @!p5 $0xFFFFC000;
	s15 =	simm.s32 @!p5 $0x5  }
0xd8: {  	[spmem:s3] =	stream.indirect.scatter.add.f32 @!p5 [tilespmem:s11], [sflag:$0x8], $0x80, s12, s18, $0xb8;
	[tilespmem:$0x15080] =	vst v63  }
0xd9: {  	_ =	swait.ge @!p5 [sflag:s15], $0x4000  }
0xda: {  	s31 =	sadd.s32 $0x4, s31;
	s11 =	rddreg [dreg:$0x8]  }
0xdb: {  	[sflag:s15] =	ssyncset.done @!p5 $0x0;
	s18 =	rddreg [dreg:$0x9];
	p0 =	sge.u32 @!p5 s10, s11  }
0xdc: {  	[sflag:s15] =	ssyncadd.s32 @!p5 $0xFFFFC000;
	p5 =	por p0, p5;
	p0 =	sne.s32 s18, s31  }
.Ltmp10:
0xdd: {  	_ = 	snop;
	(pc) =	sbr.rel @p0 .LBB2_14-.Ltmp10, $3  }
0xde: {  	_ =	sdelay $0x1  }
0xdf: {  	s20 =	smov.u32 s7;
	s7 =	sadd.s32 $0x2000, s7;
	s8 =	sadd.s32 $0x2000, s8  }
0xe0: {  	s24 =	sadd.s32 $0x2000, s24;
	s2 =	sadd.s32 $0x2000, s2;
	s0 =	sadd.s32 $0x200, s0  }
.LBB2_15:
0xe1: {  	s18 =	sld [smem:$0x7FD]  }
0xe2: {  	s0 =	simm.s32 @!p5 $0x0;
	s2 =	simm.s32 @!p5 $0x4480  }
0xe3: {  	[tilespmem:s2], [sflag:$0x1] =	stream.linear.gather @!p5 [hbm4b:s20+s0], $0x4000, $0x38;
	[tilespmem:$0x15080] =	vst v63  }
0xe4: {  	p0 =	seq.s32 s18, $0x1  }
0xe5: {  	s0 =	simm.s32 @p0 $0x5  }
0xe6: {  	_ =	swait.ge @p0 [sflag:s0], $0x4000  }
0xe7: {  	[sflag:s0] =	ssyncset.done @p0 $0x0  }
0xe8: {  	[sflag:s0] =	ssyncadd.s32 @p0 $0xFFFFC000;
	s0 =	simm.s32 @p1 $0x6  }
0xe9: {  	_ =	swait.ge @p1 [sflag:s0], $0x4000  }
0xea: {  	[sflag:s0] =	ssyncset.done @p1 $0x0  }
0xeb: {  	[sflag:s0] =	ssyncadd.s32 @p1 $0xFFFFC000;
	s0 =	simm.s32 @p2 $0x7  }
0xec: {  	_ =	swait.ge @p2 [sflag:s0], $0x4000  }
0xed: {  	[sflag:s0] =	ssyncset.done @p2 $0x0  }
0xee: {  	[sflag:s0] =	ssyncadd.s32 @p2 $0xFFFFC000;
	s0 =	simm.s32 @p3 $0x8  }
0xef: {  	_ =	swait.ge @p3 [sflag:s0], $0x4000  }
0xf0: {  	[sflag:s0] =	ssyncset.done @p3 $0x0  }
0xf1: {  	s20 =	stileid.u32;
	[sflag:s0] =	ssyncadd.s32 @p3 $0xFFFFC000  }
0xf2: {  	s0 =	sshll.u32 s20, $0x6;
	[bflag:$0x0] =	sbarrier.arrive $0xFFFF  }
0xf3: {  	s0 =	sor.u32 $0x1C0A, s0;
	s24 =	rddreg [dreg:$0xd]  }
0xf4: {  	[hbm:s24], [sflag:s0] =	dma.local [spmem:s25], $0x400  }
0xf5: {  	_ =	swait.ge [sflag:s26], $0x400  }
0xf6: {  	s30 =	sadd.s32 $0x1, s30;
	s31 =	rddreg [dreg:$0xf]  }
0xf7: {  	p0 =	sne.s32 s30, s31  }
.Ltmp11:
0xf8: {  	_ = 	snop;
	(pc) =	sbr.rel @p0 .LBB2_1-.Ltmp11, $4  }
.Ltmp12:
0xf9: {  	_ = 	snop;
	(pc) =	sbr.rel @!p0 .LBB2_16-.Ltmp12, $4  }
0xfa: {  	_ = 	snop  }
0xfb: {  	[sflag:s26] =	ssyncset.done $0x0  }
0xfc: {  	[sflag:s26] =	ssyncadd.s32 $0xFFFFFC00  }
0xfd: {  	_ = 	snop  }
.LBB2_7:
.Ltmp13:
0xfe: {  	(pc) =	sbr.rel .LBB2_10-.Ltmp13, $2  }
0xff: {  	_ =	sdelay $0x2  }
0x100: {  	s7 =	rddreg [dreg:$0x10];
	s2 =	smov.u32 s16  }
.LBB2_16:
0x101: {  	_ =	sfence.sel $0x180000  }
0x102: {  	[bflag:$0x0] =	sbarrier.arrive $0xFFFF  }
0x103: {  	_ =	strace $0x90000047  }
0x104: {  	s0 =	stileid.u32;
	[bflag:$0x2] =	sbarrier.arrive $0xFFFF  }
0x105: {  	p0 =	sne.s32 s0, $0x0;
	s0 =	rddreg [dreg:$0x4]  }
0x106: {  	s0 =	sadd.s32 @!p0 $0x100000, s0  }
0x107: {  	[sflag:s0] =	ssyncadd.tile.s32 @!p0 $0x1;
	_ =	shalt  }
.Lfunc_end2:
_tile_overlayer_lowered:
.L_overlay_start_2:
0x108: {  	(tag) =	ssettag $0x2  }
0x109: {  	s0 =	rddreg [dreg:$0x0];
	s2 =	stileid.u32  }
0x10a: {  	s1 =	rddreg [dreg:$0x1];
	p0 =	sne.s32 s2, $0x0  }
0x10b: {  	s3 =	rddreg [dreg:$0x2];
	[bflag:$0x3] =	sbarrier.arrive $0xFFFF;
	s2 =	simm.s32 @!p0 $0x1C0A  }
0x10c: {  	[timem:s3], [sflag:s2] =	dma.local @!p0 [hbm:s0], s1  }
0x10d: {  	s0 =	simm.s32 @!p0 $0xA  }
0x10e: {  	_ =	swait.ge @!p0 [sflag:s0], s1  }
0x10f: {  	s1 =	ssub.s32 @!p0 $0x0, s1;
	[sflag:s0] =	ssyncset.done @!p0 $0x0  }
0x110: {  	[sflag:s0] =	ssyncadd.s32 @!p0 s1  }
0x111: {  	[bflag:$0x3] =	sbarrier.arrive $0xFFFF  }
0x112: {  	_ =	shalt  }

</sc_bundles>
